<compile_context>
chip_gen: v7x
topology: tpu7x:2x2x1
jax: 0.10.2.dev20260603
libtpu: 0.0.44.dev20260713+nightly
codegen_flags: <defaults>
</compile_context>

<pallas_src>
import functools

import jax
import jax.numpy as jnp
from jax import lax
from jax.experimental import pallas as pl
from jax.experimental.pallas import tpu as pltpu
from jax.experimental.pallas import tpu_sc as plsc

NTOKEN = 100000
D = 128
NC = 2
NS = 16
NW = NC * NS
CHUNK = 320
N_BUF = 3
AHEAD = 2
assert AHEAD <= N_BUF - 1


def _make_gather(B: int):
  b_per_w = B // NW
  n_steps = b_per_w // CHUNK
  mesh = plsc.VectorSubcoreMesh(
      core_axis_name="c", subcore_axis_name="s", num_cores=NC, num_subcores=NS
  )

  @functools.partial(
      pl.kernel,
      mesh=mesh,
      out_type=jax.ShapeDtypeStruct((B, D), jnp.float32),
      scratch_types=[
          pltpu.VMEM((b_per_w,), jnp.int32),
          [pltpu.VMEM((CHUNK, D), jnp.float32) for _ in range(N_BUF)],
          [pltpu.SemaphoreType.DMA for _ in range(N_BUF)],
          [pltpu.SemaphoreType.DMA for _ in range(N_BUF)],
      ],
  )
  def gather_kernel(idx_hbm, table_hbm, out_hbm, idx_v, bufs, gsems, wsems):
    wid = lax.axis_index("s") * NC + lax.axis_index("c")
    base = wid * b_per_w
    pltpu.sync_copy(idx_hbm.at[pl.ds(base, b_per_w)], idx_v)

    def start_gather(step):
      b = step % N_BUF
      pltpu.async_copy(
          table_hbm.at[idx_v.at[pl.ds(step * CHUNK, CHUNK)]], bufs[b], gsems[b]
      )

    def out_slice(step):
      return out_hbm.at[pl.ds(base + step * CHUNK, CHUNK)]

    unwaited_write = [False] * N_BUF
    for j in range(min(AHEAD, n_steps)):
      start_gather(j)
    for i in range(n_steps):
      b = i % N_BUF
      nxt = i + AHEAD
      if nxt < n_steps:
        bn = nxt % N_BUF
        if nxt >= N_BUF:
          pltpu.make_async_copy(bufs[bn], out_slice(nxt - N_BUF), wsems[bn]).wait()
          unwaited_write[bn] = False
        start_gather(nxt)
      pltpu.make_async_copy(
          table_hbm.at[idx_v.at[pl.ds(i * CHUNK, CHUNK)]], bufs[b], gsems[b]
      ).wait()
      pltpu.async_copy(bufs[b], out_slice(i), wsems[b])
      unwaited_write[b] = True
    for b in range(N_BUF):
      if unwaited_write[b]:
        pltpu.make_async_copy(bufs[b], out_slice(0), wsems[b]).wait()

  return gather_kernel


@jax.jit
def kernel(input, table):
  nseq, seq = input.shape
  flat_idx = input.T.reshape(-1).astype(jnp.int32)
  out = _make_gather(flat_idx.shape[0])(flat_idx, table)
  return out.reshape(seq, nseq, D).transpose(1, 0, 2)

# --- scband reference (transcript-rebuilt; emitter-appended) ---
"""Pipeline reference for scband-word2-vec-encoder-2207613190733 (READ-ONLY COPY).

The authoritative reference and input builder live on the scoring server;
editing this copy changes nothing except your own understanding.
"""

import jax, jax.numpy as jnp
import numpy as np

NTOKEN = 100000
NINP = 128

def setup_inputs(seed: int = 0) -> dict:
    key = jax.random.key(seed)
    k1, k2 = jax.random.split(key)
    indices = jax.random.randint(k1, (4096, 50), 0, NTOKEN, dtype=jnp.int64 if jax.config.jax_enable_x64 else jnp.int32)
    # embedding table initialized uniform(-0.1, 0.1) per init_weights
    table = jax.random.uniform(k2, (NTOKEN, NINP), dtype=jnp.float32, minval=-0.1, maxval=0.1)
    return {"input": indices, "table": table}

def reference(input, table):
    # emb = self.encoder(input): embedding gather
    emb = jnp.take(table, input, axis=0)
    # self.drop(emb): dropout is identity in eval/inference mode
    return emb

if __name__ == "__main__":
    import jax
    _d = setup_inputs()
    print(jax.jit(kernel)(*tuple(_d.values())))

</pallas_src>

<mosaic_0001>
#map = affine_map<(d0, d1) -> (0)>
#map1 = affine_map<(d0, d1) -> (0, 0)>
module attributes {stable_mosaic.version = 14 : i64} {
  func.func @gather_kernel(%arg0: i32, %arg1: i32, %arg2: memref<204800xi32, #tpu.memory_space<hbm>>, %arg3: memref<100000x128xf32, #tpu.memory_space<hbm>>, %arg4: memref<204800x128xf32, #tpu.memory_space<hbm>>, %arg5: memref<6400xi32, #tpu.memory_space<vmem>>, %arg6: memref<320x128xf32, #tpu.memory_space<vmem>>, %arg7: memref<320x128xf32, #tpu.memory_space<vmem>>, %arg8: memref<320x128xf32, #tpu.memory_space<vmem>>, %arg9: memref<!tpu.dma_semaphore, #tpu.memory_space<semaphore_mem>>, %arg10: memref<!tpu.dma_semaphore, #tpu.memory_space<semaphore_mem>>, %arg11: memref<!tpu.dma_semaphore, #tpu.memory_space<semaphore_mem>>, %arg12: memref<!tpu.dma_semaphore, #tpu.memory_space<semaphore_mem>>, %arg13: memref<!tpu.dma_semaphore, #tpu.memory_space<semaphore_mem>>, %arg14: memref<!tpu.dma_semaphore, #tpu.memory_space<semaphore_mem>>) attributes {dimension_semantics = [#tpu.dimension_semantics<core_parallel>, #tpu.dimension_semantics<subcore_parallel>], iteration_bounds = array<i64: 2, 16>, scalar_prefetch = 0 : i64, scratch_operands = 10 : i64, tpu.core_type = #tpu.core_type<sc_vector_subcore>, window_params = [{transform_indices = #map}, {transform_indices = #map1}, {transform_indices = #map1}]} {
    %mul3A = arith.constant 2 : i32
    %mul3A_0 = arith.muli %arg1, %mul3A : i32
    %add3A = arith.addi %mul3A_0, %arg0 : i32
    %mul3A_1 = arith.constant 6400 : i32
    %mul3A_2 = arith.muli %add3A, %mul3A_1 : i32
    "tpu.region"() ({
      %run_scoped3A = tpu.sem_alloc : memref<!tpu.dma_semaphore, #tpu.memory_space<semaphore_mem>>
      %dma_start3A_441 = tpu.memref_slice %arg2[%mul3A_2] : memref<204800xi32, #tpu.memory_space<hbm>> -> memref<6400xi32, #tpu.memory_space<hbm>>
      %dma_start3A_442 = tpu.memref_slice %arg2[%mul3A_2] : memref<204800xi32, #tpu.memory_space<hbm>> -> memref<6400xi32, #tpu.memory_space<hbm>>
      tpu.enqueue_dma source(%dma_start3A_442 : memref<6400xi32, #tpu.memory_space<hbm>>) target(%arg5 : memref<6400xi32, #tpu.memory_space<vmem>>) target_semaphore(%run_scoped3A : memref<!tpu.dma_semaphore, #tpu.memory_space<semaphore_mem>>)
      %dma_wait3A_443 = tpu.memref_slice %arg2[%mul3A_2] : memref<204800xi32, #tpu.memory_space<hbm>> -> memref<6400xi32, #tpu.memory_space<hbm>>
      %dma_wait3A_444 = tpu.memref_slice %arg2[%mul3A_2] : memref<204800xi32, #tpu.memory_space<hbm>> -> memref<6400xi32, #tpu.memory_space<hbm>>
      tpu.wait_dma2 semaphore(%run_scoped3A : memref<!tpu.dma_semaphore, #tpu.memory_space<semaphore_mem>>) src(%dma_wait3A_444 : memref<6400xi32, #tpu.memory_space<hbm>>) dst(%arg5 : memref<6400xi32, #tpu.memory_space<vmem>>)
      tpu.yield
    }) : () -> ()
    %dma_start3A = arith.constant 0 : i32
    %dma_start3A_3 = tpu.memref_slice %arg5[%dma_start3A] : memref<6400xi32, #tpu.memory_space<vmem>> -> memref<320xi32, #tpu.memory_space<vmem>>
    %dma_start3A_4 = arith.constant 0 : i32
    %dma_start3A_5 = arith.constant 0 : i32
    %dma_start3A_6 = tpu.memref_slice %arg3[%dma_start3A_4, %dma_start3A_5] : memref<100000x128xf32, #tpu.memory_space<hbm>> -> memref<100000x128xf32, #tpu.memory_space<hbm>>
    tpu.enqueue_indirect_dma source(%dma_start3A_6 : memref<100000x128xf32, #tpu.memory_space<hbm>>) target(%arg6 : memref<320x128xf32, #tpu.memory_space<vmem>>) offsets(%dma_start3A_3 : memref<320xi32, #tpu.memory_space<vmem>>) semaphore(%arg9 : memref<!tpu.dma_semaphore, #tpu.memory_space<semaphore_mem>>)
    %dma_start3A_7 = arith.constant 320 : i32
    %dma_start3A_8 = tpu.memref_slice %arg5[%dma_start3A_7] : memref<6400xi32, #tpu.memory_space<vmem>> -> memref<320xi32, #tpu.memory_space<vmem>>
    %dma_start3A_9 = arith.constant 0 : i32
    %dma_start3A_10 = arith.constant 0 : i32
    %dma_start3A_11 = tpu.memref_slice %arg3[%dma_start3A_9, %dma_start3A_10] : memref<100000x128xf32, #tpu.memory_space<hbm>> -> memref<100000x128xf32, #tpu.memory_space<hbm>>
    tpu.enqueue_indirect_dma source(%dma_start3A_11 : memref<100000x128xf32, #tpu.memory_space<hbm>>) target(%arg7 : memref<320x128xf32, #tpu.memory_space<vmem>>) offsets(%dma_start3A_8 : memref<320xi32, #tpu.memory_space<vmem>>) semaphore(%arg10 : memref<!tpu.dma_semaphore, #tpu.memory_space<semaphore_mem>>)
    %dma_start3A_12 = arith.constant 640 : i32
    %dma_start3A_13 = tpu.memref_slice %arg5[%dma_start3A_12] : memref<6400xi32, #tpu.memory_space<vmem>> -> memref<320xi32, #tpu.memory_space<vmem>>
    %dma_start3A_14 = arith.constant 0 : i32
    %dma_start3A_15 = arith.constant 0 : i32
    %dma_start3A_16 = tpu.memref_slice %arg3[%dma_start3A_14, %dma_start3A_15] : memref<100000x128xf32, #tpu.memory_space<hbm>> -> memref<100000x128xf32, #tpu.memory_space<hbm>>
    tpu.enqueue_indirect_dma source(%dma_start3A_16 : memref<100000x128xf32, #tpu.memory_space<hbm>>) target(%arg8 : memref<320x128xf32, #tpu.memory_space<vmem>>) offsets(%dma_start3A_13 : memref<320xi32, #tpu.memory_space<vmem>>) semaphore(%arg11 : memref<!tpu.dma_semaphore, #tpu.memory_space<semaphore_mem>>)
    %dma_wait3A = arith.constant 0 : i32
    %dma_wait3A_17 = tpu.memref_slice %arg5[%dma_wait3A] : memref<6400xi32, #tpu.memory_space<vmem>> -> memref<320xi32, #tpu.memory_space<vmem>>
    %dma_wait3A_18 = arith.constant 0 : i32
    %dma_wait3A_19 = arith.constant 0 : i32
    %dma_wait3A_20 = tpu.memref_slice %arg3[%dma_wait3A_18, %dma_wait3A_19] : memref<100000x128xf32, #tpu.memory_space<hbm>> -> memref<100000x128xf32, #tpu.memory_space<hbm>>
    tpu.wait_indirect_dma semaphore(%arg9 : memref<!tpu.dma_semaphore, #tpu.memory_space<semaphore_mem>>) src(%dma_wait3A_20 : memref<100000x128xf32, #tpu.memory_space<hbm>>) dst(%arg6 : memref<320x128xf32, #tpu.memory_space<vmem>>)
    %add3A_21 = arith.constant 0 : i32
    %add3A_22 = arith.addi %mul3A_2, %add3A_21 : i32
    %dma_start3A_23 = arith.constant 0 : i32
    %dma_start3A_24 = tpu.memref_slice %arg4[%add3A_22, %dma_start3A_23] : memref<204800x128xf32, #tpu.memory_space<hbm>> -> memref<320x128xf32, #tpu.memory_space<hbm>>
    %dma_start3A_25 = arith.constant 0 : i32
    %dma_start3A_26 = tpu.memref_slice %arg4[%add3A_22, %dma_start3A_25] : memref<204800x128xf32, #tpu.memory_space<hbm>> -> memref<320x128xf32, #tpu.memory_space<hbm>>
    tpu.enqueue_dma source(%arg6 : memref<320x128xf32, #tpu.memory_space<vmem>>) target(%dma_start3A_26 : memref<320x128xf32, #tpu.memory_space<hbm>>) target_semaphore(%arg12 : memref<!tpu.dma_semaphore, #tpu.memory_space<semaphore_mem>>)
    %add3A_27 = arith.constant 0 : i32
    %add3A_28 = arith.addi %mul3A_2, %add3A_27 : i32
    %dma_wait3A_29 = arith.constant 0 : i32
    %dma_wait3A_30 = tpu.memref_slice %arg4[%add3A_28, %dma_wait3A_29] : memref<204800x128xf32, #tpu.memory_space<hbm>> -> memref<320x128xf32, #tpu.memory_space<hbm>>
    %dma_wait3A_31 = arith.constant 0 : i32
    %dma_wait3A_32 = tpu.memref_slice %arg4[%add3A_28, %dma_wait3A_31] : memref<204800x128xf32, #tpu.memory_space<hbm>> -> memref<320x128xf32, #tpu.memory_space<hbm>>
    tpu.wait_dma2 semaphore(%arg12 : memref<!tpu.dma_semaphore, #tpu.memory_space<semaphore_mem>>) src(%arg6 : memref<320x128xf32, #tpu.memory_space<vmem>>) dst(%dma_wait3A_32 : memref<320x128xf32, #tpu.memory_space<hbm>>)
    %dma_start3A_33 = arith.constant 960 : i32
    %dma_start3A_34 = tpu.memref_slice %arg5[%dma_start3A_33] : memref<6400xi32, #tpu.memory_space<vmem>> -> memref<320xi32, #tpu.memory_space<vmem>>
    %dma_start3A_35 = arith.constant 0 : i32
    %dma_start3A_36 = arith.constant 0 : i32
    %dma_start3A_37 = tpu.memref_slice %arg3[%dma_start3A_35, %dma_start3A_36] : memref<100000x128xf32, #tpu.memory_space<hbm>> -> memref<100000x128xf32, #tpu.memory_space<hbm>>
    tpu.enqueue_indirect_dma source(%dma_start3A_37 : memref<100000x128xf32, #tpu.memory_space<hbm>>) target(%arg6 : memref<320x128xf32, #tpu.memory_space<vmem>>) offsets(%dma_start3A_34 : memref<320xi32, #tpu.memory_space<vmem>>) semaphore(%arg9 : memref<!tpu.dma_semaphore, #tpu.memory_space<semaphore_mem>>)
    %dma_wait3A_38 = arith.constant 320 : i32
    %dma_wait3A_39 = tpu.memref_slice %arg5[%dma_wait3A_38] : memref<6400xi32, #tpu.memory_space<vmem>> -> memref<320xi32, #tpu.memory_space<vmem>>
    %dma_wait3A_40 = arith.constant 0 : i32
    %dma_wait3A_41 = arith.constant 0 : i32
    %dma_wait3A_42 = tpu.memref_slice %arg3[%dma_wait3A_40, %dma_wait3A_41] : memref<100000x128xf32, #tpu.memory_space<hbm>> -> memref<100000x128xf32, #tpu.memory_space<hbm>>
    tpu.wait_indirect_dma semaphore(%arg10 : memref<!tpu.dma_semaphore, #tpu.memory_space<semaphore_mem>>) src(%dma_wait3A_42 : memref<100000x128xf32, #tpu.memory_space<hbm>>) dst(%arg7 : memref<320x128xf32, #tpu.memory_space<vmem>>)
    %add3A_43 = arith.constant 320 : i32
    %add3A_44 = arith.addi %mul3A_2, %add3A_43 : i32
    %dma_start3A_45 = arith.constant 0 : i32
    %dma_start3A_46 = tpu.memref_slice %arg4[%add3A_44, %dma_start3A_45] : memref<204800x128xf32, #tpu.memory_space<hbm>> -> memref<320x128xf32, #tpu.memory_space<hbm>>
    %dma_start3A_47 = arith.constant 0 : i32
    %dma_start3A_48 = tpu.memref_slice %arg4[%add3A_44, %dma_start3A_47] : memref<204800x128xf32, #tpu.memory_space<hbm>> -> memref<320x128xf32, #tpu.memory_space<hbm>>
    tpu.enqueue_dma source(%arg7 : memref<320x128xf32, #tpu.memory_space<vmem>>) target(%dma_start3A_48 : memref<320x128xf32, #tpu.memory_space<hbm>>) target_semaphore(%arg13 : memref<!tpu.dma_semaphore, #tpu.memory_space<semaphore_mem>>)
    %add3A_49 = arith.constant 320 : i32
    %add3A_50 = arith.addi %mul3A_2, %add3A_49 : i32
    %dma_wait3A_51 = arith.constant 0 : i32
    %dma_wait3A_52 = tpu.memref_slice %arg4[%add3A_50, %dma_wait3A_51] : memref<204800x128xf32, #tpu.memory_space<hbm>> -> memref<320x128xf32, #tpu.memory_space<hbm>>
    %dma_wait3A_53 = arith.constant 0 : i32
    %dma_wait3A_54 = tpu.memref_slice %arg4[%add3A_50, %dma_wait3A_53] : memref<204800x128xf32, #tpu.memory_space<hbm>> -> memref<320x128xf32, #tpu.memory_space<hbm>>
    tpu.wait_dma2 semaphore(%arg13 : memref<!tpu.dma_semaphore, #tpu.memory_space<semaphore_mem>>) src(%arg7 : memref<320x128xf32, #tpu.memory_space<vmem>>) dst(%dma_wait3A_54 : memref<320x128xf32, #tpu.memory_space<hbm>>)
    %dma_start3A_55 = arith.constant 1280 : i32
    %dma_start3A_56 = tpu.memref_slice %arg5[%dma_start3A_55] : memref<6400xi32, #tpu.memory_space<vmem>> -> memref<320xi32, #tpu.memory_space<vmem>>
    %dma_start3A_57 = arith.constant 0 : i32
    %dma_start3A_58 = arith.constant 0 : i32
    %dma_start3A_59 = tpu.memref_slice %arg3[%dma_start3A_57, %dma_start3A_58] : memref<100000x128xf32, #tpu.memory_space<hbm>> -> memref<100000x128xf32, #tpu.memory_space<hbm>>
    tpu.enqueue_indirect_dma source(%dma_start3A_59 : memref<100000x128xf32, #tpu.memory_space<hbm>>) target(%arg7 : memref<320x128xf32, #tpu.memory_space<vmem>>) offsets(%dma_start3A_56 : memref<320xi32, #tpu.memory_space<vmem>>) semaphore(%arg10 : memref<!tpu.dma_semaphore, #tpu.memory_space<semaphore_mem>>)
    %dma_wait3A_60 = arith.constant 640 : i32
    %dma_wait3A_61 = tpu.memref_slice %arg5[%dma_wait3A_60] : memref<6400xi32, #tpu.memory_space<vmem>> -> memref<320xi32, #tpu.memory_space<vmem>>
    %dma_wait3A_62 = arith.constant 0 : i32
    %dma_wait3A_63 = arith.constant 0 : i32
    %dma_wait3A_64 = tpu.memref_slice %arg3[%dma_wait3A_62, %dma_wait3A_63] : memref<100000x128xf32, #tpu.memory_space<hbm>> -> memref<100000x128xf32, #tpu.memory_space<hbm>>
    tpu.wait_indirect_dma semaphore(%arg11 : memref<!tpu.dma_semaphore, #tpu.memory_space<semaphore_mem>>) src(%dma_wait3A_64 : memref<100000x128xf32, #tpu.memory_space<hbm>>) dst(%arg8 : memref<320x128xf32, #tpu.memory_space<vmem>>)
    %add3A_65 = arith.constant 640 : i32
    %add3A_66 = arith.addi %mul3A_2, %add3A_65 : i32
    %dma_start3A_67 = arith.constant 0 : i32
    %dma_start3A_68 = tpu.memref_slice %arg4[%add3A_66, %dma_start3A_67] : memref<204800x128xf32, #tpu.memory_space<hbm>> -> memref<320x128xf32, #tpu.memory_space<hbm>>
    %dma_start3A_69 = arith.constant 0 : i32
    %dma_start3A_70 = tpu.memref_slice %arg4[%add3A_66, %dma_start3A_69] : memref<204800x128xf32, #tpu.memory_space<hbm>> -> memref<320x128xf32, #tpu.memory_space<hbm>>
    tpu.enqueue_dma source(%arg8 : memref<320x128xf32, #tpu.memory_space<vmem>>) target(%dma_start3A_70 : memref<320x128xf32, #tpu.memory_space<hbm>>) target_semaphore(%arg14 : memref<!tpu.dma_semaphore, #tpu.memory_space<semaphore_mem>>)
    %add3A_71 = arith.constant 640 : i32
    %add3A_72 = arith.addi %mul3A_2, %add3A_71 : i32
    %dma_wait3A_73 = arith.constant 0 : i32
    %dma_wait3A_74 = tpu.memref_slice %arg4[%add3A_72, %dma_wait3A_73] : memref<204800x128xf32, #tpu.memory_space<hbm>> -> memref<320x128xf32, #tpu.memory_space<hbm>>
    %dma_wait3A_75 = arith.constant 0 : i32
    %dma_wait3A_76 = tpu.memref_slice %arg4[%add3A_72, %dma_wait3A_75] : memref<204800x128xf32, #tpu.memory_space<hbm>> -> memref<320x128xf32, #tpu.memory_space<hbm>>
    tpu.wait_dma2 semaphore(%arg14 : memref<!tpu.dma_semaphore, #tpu.memory_space<semaphore_mem>>) src(%arg8 : memref<320x128xf32, #tpu.memory_space<vmem>>) dst(%dma_wait3A_76 : memref<320x128xf32, #tpu.memory_space<hbm>>)
    %dma_start3A_77 = arith.constant 1600 : i32
    %dma_start3A_78 = tpu.memref_slice %arg5[%dma_start3A_77] : memref<6400xi32, #tpu.memory_space<vmem>> -> memref<320xi32, #tpu.memory_space<vmem>>
    %dma_start3A_79 = arith.constant 0 : i32
    %dma_start3A_80 = arith.constant 0 : i32
    %dma_start3A_81 = tpu.memref_slice %arg3[%dma_start3A_79, %dma_start3A_80] : memref<100000x128xf32, #tpu.memory_space<hbm>> -> memref<100000x128xf32, #tpu.memory_space<hbm>>
    tpu.enqueue_indirect_dma source(%dma_start3A_81 : memref<100000x128xf32, #tpu.memory_space<hbm>>) target(%arg8 : memref<320x128xf32, #tpu.memory_space<vmem>>) offsets(%dma_start3A_78 : memref<320xi32, #tpu.memory_space<vmem>>) semaphore(%arg11 : memref<!tpu.dma_semaphore, #tpu.memory_space<semaphore_mem>>)
    %dma_wait3A_82 = arith.constant 960 : i32
    %dma_wait3A_83 = tpu.memref_slice %arg5[%dma_wait3A_82] : memref<6400xi32, #tpu.memory_space<vmem>> -> memref<320xi32, #tpu.memory_space<vmem>>
    %dma_wait3A_84 = arith.constant 0 : i32
    %dma_wait3A_85 = arith.constant 0 : i32
    %dma_wait3A_86 = tpu.memref_slice %arg3[%dma_wait3A_84, %dma_wait3A_85] : memref<100000x128xf32, #tpu.memory_space<hbm>> -> memref<100000x128xf32, #tpu.memory_space<hbm>>
    tpu.wait_indirect_dma semaphore(%arg9 : memref<!tpu.dma_semaphore, #tpu.memory_space<semaphore_mem>>) src(%dma_wait3A_86 : memref<100000x128xf32, #tpu.memory_space<hbm>>) dst(%arg6 : memref<320x128xf32, #tpu.memory_space<vmem>>)
    %add3A_87 = arith.constant 960 : i32
    %add3A_88 = arith.addi %mul3A_2, %add3A_87 : i32
    %dma_start3A_89 = arith.constant 0 : i32
    %dma_start3A_90 = tpu.memref_slice %arg4[%add3A_88, %dma_start3A_89] : memref<204800x128xf32, #tpu.memory_space<hbm>> -> memref<320x128xf32, #tpu.memory_space<hbm>>
    %dma_start3A_91 = arith.constant 0 : i32
    %dma_start3A_92 = tpu.memref_slice %arg4[%add3A_88, %dma_start3A_91] : memref<204800x128xf32, #tpu.memory_space<hbm>> -> memref<320x128xf32, #tpu.memory_space<hbm>>
    tpu.enqueue_dma source(%arg6 : memref<320x128xf32, #tpu.memory_space<vmem>>) target(%dma_start3A_92 : memref<320x128xf32, #tpu.memory_space<hbm>>) target_semaphore(%arg12 : memref<!tpu.dma_semaphore, #tpu.memory_space<semaphore_mem>>)
    %add3A_93 = arith.constant 960 : i32
    %add3A_94 = arith.addi %mul3A_2, %add3A_93 : i32
    %dma_wait3A_95 = arith.constant 0 : i32
    %dma_wait3A_96 = tpu.memref_slice %arg4[%add3A_94, %dma_wait3A_95] : memref<204800x128xf32, #tpu.memory_space<hbm>> -> memref<320x128xf32, #tpu.memory_space<hbm>>
    %dma_wait3A_97 = arith.constant 0 : i32
    %dma_wait3A_98 = tpu.memref_slice %arg4[%add3A_94, %dma_wait3A_97] : memref<204800x128xf32, #tpu.memory_space<hbm>> -> memref<320x128xf32, #tpu.memory_space<hbm>>
    tpu.wait_dma2 semaphore(%arg12 : memref<!tpu.dma_semaphore, #tpu.memory_space<semaphore_mem>>) src(%arg6 : memref<320x128xf32, #tpu.memory_space<vmem>>) dst(%dma_wait3A_98 : memref<320x128xf32, #tpu.memory_space<hbm>>)
    %dma_start3A_99 = arith.constant 1920 : i32
    %dma_start3A_100 = tpu.memref_slice %arg5[%dma_start3A_99] : memref<6400xi32, #tpu.memory_space<vmem>> -> memref<320xi32, #tpu.memory_space<vmem>>
    %dma_start3A_101 = arith.constant 0 : i32
    %dma_start3A_102 = arith.constant 0 : i32
    %dma_start3A_103 = tpu.memref_slice %arg3[%dma_start3A_101, %dma_start3A_102] : memref<100000x128xf32, #tpu.memory_space<hbm>> -> memref<100000x128xf32, #tpu.memory_space<hbm>>
    tpu.enqueue_indirect_dma source(%dma_start3A_103 : memref<100000x128xf32, #tpu.memory_space<hbm>>) target(%arg6 : memref<320x128xf32, #tpu.memory_space<vmem>>) offsets(%dma_start3A_100 : memref<320xi32, #tpu.memory_space<vmem>>) semaphore(%arg9 : memref<!tpu.dma_semaphore, #tpu.memory_space<semaphore_mem>>)
    %dma_wait3A_104 = arith.constant 1280 : i32
    %dma_wait3A_105 = tpu.memref_slice %arg5[%dma_wait3A_104] : memref<6400xi32, #tpu.memory_space<vmem>> -> memref<320xi32, #tpu.memory_space<vmem>>
    %dma_wait3A_106 = arith.constant 0 : i32
    %dma_wait3A_107 = arith.constant 0 : i32
    %dma_wait3A_108 = tpu.memref_slice %arg3[%dma_wait3A_106, %dma_wait3A_107] : memref<100000x128xf32, #tpu.memory_space<hbm>> -> memref<100000x128xf32, #tpu.memory_space<hbm>>
    tpu.wait_indirect_dma semaphore(%arg10 : memref<!tpu.dma_semaphore, #tpu.memory_space<semaphore_mem>>) src(%dma_wait3A_108 : memref<100000x128xf32, #tpu.memory_space<hbm>>) dst(%arg7 : memref<320x128xf32, #tpu.memory_space<vmem>>)
    %add3A_109 = arith.constant 1280 : i32
    %add3A_110 = arith.addi %mul3A_2, %add3A_109 : i32
    %dma_start3A_111 = arith.constant 0 : i32
    %dma_start3A_112 = tpu.memref_slice %arg4[%add3A_110, %dma_start3A_111] : memref<204800x128xf32, #tpu.memory_space<hbm>> -> memref<320x128xf32, #tpu.memory_space<hbm>>
    %dma_start3A_113 = arith.constant 0 : i32
    %dma_start3A_114 = tpu.memref_slice %arg4[%add3A_110, %dma_start3A_113] : memref<204800x128xf32, #tpu.memory_space<hbm>> -> memref<320x128xf32, #tpu.memory_space<hbm>>
    tpu.enqueue_dma source(%arg7 : memref<320x128xf32, #tpu.memory_space<vmem>>) target(%dma_start3A_114 : memref<320x128xf32, #tpu.memory_space<hbm>>) target_semaphore(%arg13 : memref<!tpu.dma_semaphore, #tpu.memory_space<semaphore_mem>>)
    %add3A_115 = arith.constant 1280 : i32
    %add3A_116 = arith.addi %mul3A_2, %add3A_115 : i32
    %dma_wait3A_117 = arith.constant 0 : i32
    %dma_wait3A_118 = tpu.memref_slice %arg4[%add3A_116, %dma_wait3A_117] : memref<204800x128xf32, #tpu.memory_space<hbm>> -> memref<320x128xf32, #tpu.memory_space<hbm>>
    %dma_wait3A_119 = arith.constant 0 : i32
    %dma_wait3A_120 = tpu.memref_slice %arg4[%add3A_116, %dma_wait3A_119] : memref<204800x128xf32, #tpu.memory_space<hbm>> -> memref<320x128xf32, #tpu.memory_space<hbm>>
    tpu.wait_dma2 semaphore(%arg13 : memref<!tpu.dma_semaphore, #tpu.memory_space<semaphore_mem>>) src(%arg7 : memref<320x128xf32, #tpu.memory_space<vmem>>) dst(%dma_wait3A_120 : memref<320x128xf32, #tpu.memory_space<hbm>>)
    %dma_start3A_121 = arith.constant 2240 : i32
    %dma_start3A_122 = tpu.memref_slice %arg5[%dma_start3A_121] : memref<6400xi32, #tpu.memory_space<vmem>> -> memref<320xi32, #tpu.memory_space<vmem>>
    %dma_start3A_123 = arith.constant 0 : i32
    %dma_start3A_124 = arith.constant 0 : i32
    %dma_start3A_125 = tpu.memref_slice %arg3[%dma_start3A_123, %dma_start3A_124] : memref<100000x128xf32, #tpu.memory_space<hbm>> -> memref<100000x128xf32, #tpu.memory_space<hbm>>
    tpu.enqueue_indirect_dma source(%dma_start3A_125 : memref<100000x128xf32, #tpu.memory_space<hbm>>) target(%arg7 : memref<320x128xf32, #tpu.memory_space<vmem>>) offsets(%dma_start3A_122 : memref<320xi32, #tpu.memory_space<vmem>>) semaphore(%arg10 : memref<!tpu.dma_semaphore, #tpu.memory_space<semaphore_mem>>)
    %dma_wait3A_126 = arith.constant 1600 : i32
    %dma_wait3A_127 = tpu.memref_slice %arg5[%dma_wait3A_126] : memref<6400xi32, #tpu.memory_space<vmem>> -> memref<320xi32, #tpu.memory_space<vmem>>
    %dma_wait3A_128 = arith.constant 0 : i32
    %dma_wait3A_129 = arith.constant 0 : i32
    %dma_wait3A_130 = tpu.memref_slice %arg3[%dma_wait3A_128, %dma_wait3A_129] : memref<100000x128xf32, #tpu.memory_space<hbm>> -> memref<100000x128xf32, #tpu.memory_space<hbm>>
    tpu.wait_indirect_dma semaphore(%arg11 : memref<!tpu.dma_semaphore, #tpu.memory_space<semaphore_mem>>) src(%dma_wait3A_130 : memref<100000x128xf32, #tpu.memory_space<hbm>>) dst(%arg8 : memref<320x128xf32, #tpu.memory_space<vmem>>)
    %add3A_131 = arith.constant 1600 : i32
    %add3A_132 = arith.addi %mul3A_2, %add3A_131 : i32
    %dma_start3A_133 = arith.constant 0 : i32
    %dma_start3A_134 = tpu.memref_slice %arg4[%add3A_132, %dma_start3A_133] : memref<204800x128xf32, #tpu.memory_space<hbm>> -> memref<320x128xf32, #tpu.memory_space<hbm>>
    %dma_start3A_135 = arith.constant 0 : i32
    %dma_start3A_136 = tpu.memref_slice %arg4[%add3A_132, %dma_start3A_135] : memref<204800x128xf32, #tpu.memory_space<hbm>> -> memref<320x128xf32, #tpu.memory_space<hbm>>
    tpu.enqueue_dma source(%arg8 : memref<320x128xf32, #tpu.memory_space<vmem>>) target(%dma_start3A_136 : memref<320x128xf32, #tpu.memory_space<hbm>>) target_semaphore(%arg14 : memref<!tpu.dma_semaphore, #tpu.memory_space<semaphore_mem>>)
    %add3A_137 = arith.constant 1600 : i32
    %add3A_138 = arith.addi %mul3A_2, %add3A_137 : i32
    %dma_wait3A_139 = arith.constant 0 : i32
    %dma_wait3A_140 = tpu.memref_slice %arg4[%add3A_138, %dma_wait3A_139] : memref<204800x128xf32, #tpu.memory_space<hbm>> -> memref<320x128xf32, #tpu.memory_space<hbm>>
    %dma_wait3A_141 = arith.constant 0 : i32
    %dma_wait3A_142 = tpu.memref_slice %arg4[%add3A_138, %dma_wait3A_141] : memref<204800x128xf32, #tpu.memory_space<hbm>> -> memref<320x128xf32, #tpu.memory_space<hbm>>
    tpu.wait_dma2 semaphore(%arg14 : memref<!tpu.dma_semaphore, #tpu.memory_space<semaphore_mem>>) src(%arg8 : memref<320x128xf32, #tpu.memory_space<vmem>>) dst(%dma_wait3A_142 : memref<320x128xf32, #tpu.memory_space<hbm>>)
    %dma_start3A_143 = arith.constant 2560 : i32
    %dma_start3A_144 = tpu.memref_slice %arg5[%dma_start3A_143] : memref<6400xi32, #tpu.memory_space<vmem>> -> memref<320xi32, #tpu.memory_space<vmem>>
    %dma_start3A_145 = arith.constant 0 : i32
    %dma_start3A_146 = arith.constant 0 : i32
    %dma_start3A_147 = tpu.memref_slice %arg3[%dma_start3A_145, %dma_start3A_146] : memref<100000x128xf32, #tpu.memory_space<hbm>> -> memref<100000x128xf32, #tpu.memory_space<hbm>>
    tpu.enqueue_indirect_dma source(%dma_start3A_147 : memref<100000x128xf32, #tpu.memory_space<hbm>>) target(%arg8 : memref<320x128xf32, #tpu.memory_space<vmem>>) offsets(%dma_start3A_144 : memref<320xi32, #tpu.memory_space<vmem>>) semaphore(%arg11 : memref<!tpu.dma_semaphore, #tpu.memory_space<semaphore_mem>>)
    %dma_wait3A_148 = arith.constant 1920 : i32
    %dma_wait3A_149 = tpu.memref_slice %arg5[%dma_wait3A_148] : memref<6400xi32, #tpu.memory_space<vmem>> -> memref<320xi32, #tpu.memory_space<vmem>>
    %dma_wait3A_150 = arith.constant 0 : i32
    %dma_wait3A_151 = arith.constant 0 : i32
    %dma_wait3A_152 = tpu.memref_slice %arg3[%dma_wait3A_150, %dma_wait3A_151] : memref<100000x128xf32, #tpu.memory_space<hbm>> -> memref<100000x128xf32, #tpu.memory_space<hbm>>
    tpu.wait_indirect_dma semaphore(%arg9 : memref<!tpu.dma_semaphore, #tpu.memory_space<semaphore_mem>>) src(%dma_wait3A_152 : memref<100000x128xf32, #tpu.memory_space<hbm>>) dst(%arg6 : memref<320x128xf32, #tpu.memory_space<vmem>>)
    %add3A_153 = arith.constant 1920 : i32
    %add3A_154 = arith.addi %mul3A_2, %add3A_153 : i32
    %dma_start3A_155 = arith.constant 0 : i32
    %dma_start3A_156 = tpu.memref_slice %arg4[%add3A_154, %dma_start3A_155] : memref<204800x128xf32, #tpu.memory_space<hbm>> -> memref<320x128xf32, #tpu.memory_space<hbm>>
    %dma_start3A_157 = arith.constant 0 : i32
    %dma_start3A_158 = tpu.memref_slice %arg4[%add3A_154, %dma_start3A_157] : memref<204800x128xf32, #tpu.memory_space<hbm>> -> memref<320x128xf32, #tpu.memory_space<hbm>>
    tpu.enqueue_dma source(%arg6 : memref<320x128xf32, #tpu.memory_space<vmem>>) target(%dma_start3A_158 : memref<320x128xf32, #tpu.memory_space<hbm>>) target_semaphore(%arg12 : memref<!tpu.dma_semaphore, #tpu.memory_space<semaphore_mem>>)
    %add3A_159 = arith.constant 1920 : i32
    %add3A_160 = arith.addi %mul3A_2, %add3A_159 : i32
    %dma_wait3A_161 = arith.constant 0 : i32
    %dma_wait3A_162 = tpu.memref_slice %arg4[%add3A_160, %dma_wait3A_161] : memref<204800x128xf32, #tpu.memory_space<hbm>> -> memref<320x128xf32, #tpu.memory_space<hbm>>
    %dma_wait3A_163 = arith.constant 0 : i32
    %dma_wait3A_164 = tpu.memref_slice %arg4[%add3A_160, %dma_wait3A_163] : memref<204800x128xf32, #tpu.memory_space<hbm>> -> memref<320x128xf32, #tpu.memory_space<hbm>>
    tpu.wait_dma2 semaphore(%arg12 : memref<!tpu.dma_semaphore, #tpu.memory_space<semaphore_mem>>) src(%arg6 : memref<320x128xf32, #tpu.memory_space<vmem>>) dst(%dma_wait3A_164 : memref<320x128xf32, #tpu.memory_space<hbm>>)
    %dma_start3A_165 = arith.constant 2880 : i32
    %dma_start3A_166 = tpu.memref_slice %arg5[%dma_start3A_165] : memref<6400xi32, #tpu.memory_space<vmem>> -> memref<320xi32, #tpu.memory_space<vmem>>
    %dma_start3A_167 = arith.constant 0 : i32
    %dma_start3A_168 = arith.constant 0 : i32
    %dma_start3A_169 = tpu.memref_slice %arg3[%dma_start3A_167, %dma_start3A_168] : memref<100000x128xf32, #tpu.memory_space<hbm>> -> memref<100000x128xf32, #tpu.memory_space<hbm>>
    tpu.enqueue_indirect_dma source(%dma_start3A_169 : memref<100000x128xf32, #tpu.memory_space<hbm>>) target(%arg6 : memref<320x128xf32, #tpu.memory_space<vmem>>) offsets(%dma_start3A_166 : memref<320xi32, #tpu.memory_space<vmem>>) semaphore(%arg9 : memref<!tpu.dma_semaphore, #tpu.memory_space<semaphore_mem>>)
    %dma_wait3A_170 = arith.constant 2240 : i32
    %dma_wait3A_171 = tpu.memref_slice %arg5[%dma_wait3A_170] : memref<6400xi32, #tpu.memory_space<vmem>> -> memref<320xi32, #tpu.memory_space<vmem>>
    %dma_wait3A_172 = arith.constant 0 : i32
    %dma_wait3A_173 = arith.constant 0 : i32
    %dma_wait3A_174 = tpu.memref_slice %arg3[%dma_wait3A_172, %dma_wait3A_173] : memref<100000x128xf32, #tpu.memory_space<hbm>> -> memref<100000x128xf32, #tpu.memory_space<hbm>>
    tpu.wait_indirect_dma semaphore(%arg10 : memref<!tpu.dma_semaphore, #tpu.memory_space<semaphore_mem>>) src(%dma_wait3A_174 : memref<100000x128xf32, #tpu.memory_space<hbm>>) dst(%arg7 : memref<320x128xf32, #tpu.memory_space<vmem>>)
    %add3A_175 = arith.constant 2240 : i32
    %add3A_176 = arith.addi %mul3A_2, %add3A_175 : i32
    %dma_start3A_177 = arith.constant 0 : i32
    %dma_start3A_178 = tpu.memref_slice %arg4[%add3A_176, %dma_start3A_177] : memref<204800x128xf32, #tpu.memory_space<hbm>> -> memref<320x128xf32, #tpu.memory_space<hbm>>
    %dma_start3A_179 = arith.constant 0 : i32
    %dma_start3A_180 = tpu.memref_slice %arg4[%add3A_176, %dma_start3A_179] : memref<204800x128xf32, #tpu.memory_space<hbm>> -> memref<320x128xf32, #tpu.memory_space<hbm>>
    tpu.enqueue_dma source(%arg7 : memref<320x128xf32, #tpu.memory_space<vmem>>) target(%dma_start3A_180 : memref<320x128xf32, #tpu.memory_space<hbm>>) target_semaphore(%arg13 : memref<!tpu.dma_semaphore, #tpu.memory_space<semaphore_mem>>)
    %add3A_181 = arith.constant 2240 : i32
    %add3A_182 = arith.addi %mul3A_2, %add3A_181 : i32
    %dma_wait3A_183 = arith.constant 0 : i32
    %dma_wait3A_184 = tpu.memref_slice %arg4[%add3A_182, %dma_wait3A_183] : memref<204800x128xf32, #tpu.memory_space<hbm>> -> memref<320x128xf32, #tpu.memory_space<hbm>>
    %dma_wait3A_185 = arith.constant 0 : i32
    %dma_wait3A_186 = tpu.memref_slice %arg4[%add3A_182, %dma_wait3A_185] : memref<204800x128xf32, #tpu.memory_space<hbm>> -> memref<320x128xf32, #tpu.memory_space<hbm>>
    tpu.wait_dma2 semaphore(%arg13 : memref<!tpu.dma_semaphore, #tpu.memory_space<semaphore_mem>>) src(%arg7 : memref<320x128xf32, #tpu.memory_space<vmem>>) dst(%dma_wait3A_186 : memref<320x128xf32, #tpu.memory_space<hbm>>)
    %dma_start3A_187 = arith.constant 3200 : i32
    %dma_start3A_188 = tpu.memref_slice %arg5[%dma_start3A_187] : memref<6400xi32, #tpu.memory_space<vmem>> -> memref<320xi32, #tpu.memory_space<vmem>>
    %dma_start3A_189 = arith.constant 0 : i32
    %dma_start3A_190 = arith.constant 0 : i32
    %dma_start3A_191 = tpu.memref_slice %arg3[%dma_start3A_189, %dma_start3A_190] : memref<100000x128xf32, #tpu.memory_space<hbm>> -> memref<100000x128xf32, #tpu.memory_space<hbm>>
    tpu.enqueue_indirect_dma source(%dma_start3A_191 : memref<100000x128xf32, #tpu.memory_space<hbm>>) target(%arg7 : memref<320x128xf32, #tpu.memory_space<vmem>>) offsets(%dma_start3A_188 : memref<320xi32, #tpu.memory_space<vmem>>) semaphore(%arg10 : memref<!tpu.dma_semaphore, #tpu.memory_space<semaphore_mem>>)
    %dma_wait3A_192 = arith.constant 2560 : i32
    %dma_wait3A_193 = tpu.memref_slice %arg5[%dma_wait3A_192] : memref<6400xi32, #tpu.memory_space<vmem>> -> memref<320xi32, #tpu.memory_space<vmem>>
    %dma_wait3A_194 = arith.constant 0 : i32
    %dma_wait3A_195 = arith.constant 0 : i32
    %dma_wait3A_196 = tpu.memref_slice %arg3[%dma_wait3A_194, %dma_wait3A_195] : memref<100000x128xf32, #tpu.memory_space<hbm>> -> memref<100000x128xf32, #tpu.memory_space<hbm>>
    tpu.wait_indirect_dma semaphore(%arg11 : memref<!tpu.dma_semaphore, #tpu.memory_space<semaphore_mem>>) src(%dma_wait3A_196 : memref<100000x128xf32, #tpu.memory_space<hbm>>) dst(%arg8 : memref<320x128xf32, #tpu.memory_space<vmem>>)
    %add3A_197 = arith.constant 2560 : i32
    %add3A_198 = arith.addi %mul3A_2, %add3A_197 : i32
    %dma_start3A_199 = arith.constant 0 : i32
    %dma_start3A_200 = tpu.memref_slice %arg4[%add3A_198, %dma_start3A_199] : memref<204800x128xf32, #tpu.memory_space<hbm>> -> memref<320x128xf32, #tpu.memory_space<hbm>>
    %dma_start3A_201 = arith.constant 0 : i32
    %dma_start3A_202 = tpu.memref_slice %arg4[%add3A_198, %dma_start3A_201] : memref<204800x128xf32, #tpu.memory_space<hbm>> -> memref<320x128xf32, #tpu.memory_space<hbm>>
    tpu.enqueue_dma source(%arg8 : memref<320x128xf32, #tpu.memory_space<vmem>>) target(%dma_start3A_202 : memref<320x128xf32, #tpu.memory_space<hbm>>) target_semaphore(%arg14 : memref<!tpu.dma_semaphore, #tpu.memory_space<semaphore_mem>>)
    %add3A_203 = arith.constant 2560 : i32
    %add3A_204 = arith.addi %mul3A_2, %add3A_203 : i32
    %dma_wait3A_205 = arith.constant 0 : i32
    %dma_wait3A_206 = tpu.memref_slice %arg4[%add3A_204, %dma_wait3A_205] : memref<204800x128xf32, #tpu.memory_space<hbm>> -> memref<320x128xf32, #tpu.memory_space<hbm>>
    %dma_wait3A_207 = arith.constant 0 : i32
    %dma_wait3A_208 = tpu.memref_slice %arg4[%add3A_204, %dma_wait3A_207] : memref<204800x128xf32, #tpu.memory_space<hbm>> -> memref<320x128xf32, #tpu.memory_space<hbm>>
    tpu.wait_dma2 semaphore(%arg14 : memref<!tpu.dma_semaphore, #tpu.memory_space<semaphore_mem>>) src(%arg8 : memref<320x128xf32, #tpu.memory_space<vmem>>) dst(%dma_wait3A_208 : memref<320x128xf32, #tpu.memory_space<hbm>>)
    %dma_start3A_209 = arith.constant 3520 : i32
    %dma_start3A_210 = tpu.memref_slice %arg5[%dma_start3A_209] : memref<6400xi32, #tpu.memory_space<vmem>> -> memref<320xi32, #tpu.memory_space<vmem>>
    %dma_start3A_211 = arith.constant 0 : i32
    %dma_start3A_212 = arith.constant 0 : i32
    %dma_start3A_213 = tpu.memref_slice %arg3[%dma_start3A_211, %dma_start3A_212] : memref<100000x128xf32, #tpu.memory_space<hbm>> -> memref<100000x128xf32, #tpu.memory_space<hbm>>
    tpu.enqueue_indirect_dma source(%dma_start3A_213 : memref<100000x128xf32, #tpu.memory_space<hbm>>) target(%arg8 : memref<320x128xf32, #tpu.memory_space<vmem>>) offsets(%dma_start3A_210 : memref<320xi32, #tpu.memory_space<vmem>>) semaphore(%arg11 : memref<!tpu.dma_semaphore, #tpu.memory_space<semaphore_mem>>)
    %dma_wait3A_214 = arith.constant 2880 : i32
    %dma_wait3A_215 = tpu.memref_slice %arg5[%dma_wait3A_214] : memref<6400xi32, #tpu.memory_space<vmem>> -> memref<320xi32, #tpu.memory_space<vmem>>
    %dma_wait3A_216 = arith.constant 0 : i32
    %dma_wait3A_217 = arith.constant 0 : i32
    %dma_wait3A_218 = tpu.memref_slice %arg3[%dma_wait3A_216, %dma_wait3A_217] : memref<100000x128xf32, #tpu.memory_space<hbm>> -> memref<100000x128xf32, #tpu.memory_space<hbm>>
    tpu.wait_indirect_dma semaphore(%arg9 : memref<!tpu.dma_semaphore, #tpu.memory_space<semaphore_mem>>) src(%dma_wait3A_218 : memref<100000x128xf32, #tpu.memory_space<hbm>>) dst(%arg6 : memref<320x128xf32, #tpu.memory_space<vmem>>)
    %add3A_219 = arith.constant 2880 : i32
    %add3A_220 = arith.addi %mul3A_2, %add3A_219 : i32
    %dma_start3A_221 = arith.constant 0 : i32
    %dma_start3A_222 = tpu.memref_slice %arg4[%add3A_220, %dma_start3A_221] : memref<204800x128xf32, #tpu.memory_space<hbm>> -> memref<320x128xf32, #tpu.memory_space<hbm>>
    %dma_start3A_223 = arith.constant 0 : i32
    %dma_start3A_224 = tpu.memref_slice %arg4[%add3A_220, %dma_start3A_223] : memref<204800x128xf32, #tpu.memory_space<hbm>> -> memref<320x128xf32, #tpu.memory_space<hbm>>
    tpu.enqueue_dma source(%arg6 : memref<320x128xf32, #tpu.memory_space<vmem>>) target(%dma_start3A_224 : memref<320x128xf32, #tpu.memory_space<hbm>>) target_semaphore(%arg12 : memref<!tpu.dma_semaphore, #tpu.memory_space<semaphore_mem>>)
    %add3A_225 = arith.constant 2880 : i32
    %add3A_226 = arith.addi %mul3A_2, %add3A_225 : i32
    %dma_wait3A_227 = arith.constant 0 : i32
    %dma_wait3A_228 = tpu.memref_slice %arg4[%add3A_226, %dma_wait3A_227] : memref<204800x128xf32, #tpu.memory_space<hbm>> -> memref<320x128xf32, #tpu.memory_space<hbm>>
    %dma_wait3A_229 = arith.constant 0 : i32
    %dma_wait3A_230 = tpu.memref_slice %arg4[%add3A_226, %dma_wait3A_229] : memref<204800x128xf32, #tpu.memory_space<hbm>> -> memref<320x128xf32, #tpu.memory_space<hbm>>
    tpu.wait_dma2 semaphore(%arg12 : memref<!tpu.dma_semaphore, #tpu.memory_space<semaphore_mem>>) src(%arg6 : memref<320x128xf32, #tpu.memory_space<vmem>>) dst(%dma_wait3A_230 : memref<320x128xf32, #tpu.memory_space<hbm>>)
    %dma_start3A_231 = arith.constant 3840 : i32
    %dma_start3A_232 = tpu.memref_slice %arg5[%dma_start3A_231] : memref<6400xi32, #tpu.memory_space<vmem>> -> memref<320xi32, #tpu.memory_space<vmem>>
    %dma_start3A_233 = arith.constant 0 : i32
    %dma_start3A_234 = arith.constant 0 : i32
    %dma_start3A_235 = tpu.memref_slice %arg3[%dma_start3A_233, %dma_start3A_234] : memref<100000x128xf32, #tpu.memory_space<hbm>> -> memref<100000x128xf32, #tpu.memory_space<hbm>>
    tpu.enqueue_indirect_dma source(%dma_start3A_235 : memref<100000x128xf32, #tpu.memory_space<hbm>>) target(%arg6 : memref<320x128xf32, #tpu.memory_space<vmem>>) offsets(%dma_start3A_232 : memref<320xi32, #tpu.memory_space<vmem>>) semaphore(%arg9 : memref<!tpu.dma_semaphore, #tpu.memory_space<semaphore_mem>>)
    %dma_wait3A_236 = arith.constant 3200 : i32
    %dma_wait3A_237 = tpu.memref_slice %arg5[%dma_wait3A_236] : memref<6400xi32, #tpu.memory_space<vmem>> -> memref<320xi32, #tpu.memory_space<vmem>>
    %dma_wait3A_238 = arith.constant 0 : i32
    %dma_wait3A_239 = arith.constant 0 : i32
    %dma_wait3A_240 = tpu.memref_slice %arg3[%dma_wait3A_238, %dma_wait3A_239] : memref<100000x128xf32, #tpu.memory_space<hbm>> -> memref<100000x128xf32, #tpu.memory_space<hbm>>
    tpu.wait_indirect_dma semaphore(%arg10 : memref<!tpu.dma_semaphore, #tpu.memory_space<semaphore_mem>>) src(%dma_wait3A_240 : memref<100000x128xf32, #tpu.memory_space<hbm>>) dst(%arg7 : memref<320x128xf32, #tpu.memory_space<vmem>>)
    %add3A_241 = arith.constant 3200 : i32
    %add3A_242 = arith.addi %mul3A_2, %add3A_241 : i32
    %dma_start3A_243 = arith.constant 0 : i32
    %dma_start3A_244 = tpu.memref_slice %arg4[%add3A_242, %dma_start3A_243] : memref<204800x128xf32, #tpu.memory_space<hbm>> -> memref<320x128xf32, #tpu.memory_space<hbm>>
    %dma_start3A_245 = arith.constant 0 : i32
    %dma_start3A_246 = tpu.memref_slice %arg4[%add3A_242, %dma_start3A_245] : memref<204800x128xf32, #tpu.memory_space<hbm>> -> memref<320x128xf32, #tpu.memory_space<hbm>>
    tpu.enqueue_dma source(%arg7 : memref<320x128xf32, #tpu.memory_space<vmem>>) target(%dma_start3A_246 : memref<320x128xf32, #tpu.memory_space<hbm>>) target_semaphore(%arg13 : memref<!tpu.dma_semaphore, #tpu.memory_space<semaphore_mem>>)
    %add3A_247 = arith.constant 3200 : i32
    %add3A_248 = arith.addi %mul3A_2, %add3A_247 : i32
    %dma_wait3A_249 = arith.constant 0 : i32
    %dma_wait3A_250 = tpu.memref_slice %arg4[%add3A_248, %dma_wait3A_249] : memref<204800x128xf32, #tpu.memory_space<hbm>> -> memref<320x128xf32, #tpu.memory_space<hbm>>
    %dma_wait3A_251 = arith.constant 0 : i32
    %dma_wait3A_252 = tpu.memref_slice %arg4[%add3A_248, %dma_wait3A_251] : memref<204800x128xf32, #tpu.memory_space<hbm>> -> memref<320x128xf32, #tpu.memory_space<hbm>>
    tpu.wait_dma2 semaphore(%arg13 : memref<!tpu.dma_semaphore, #tpu.memory_space<semaphore_mem>>) src(%arg7 : memref<320x128xf32, #tpu.memory_space<vmem>>) dst(%dma_wait3A_252 : memref<320x128xf32, #tpu.memory_space<hbm>>)
    %dma_start3A_253 = arith.constant 4160 : i32
    %dma_start3A_254 = tpu.memref_slice %arg5[%dma_start3A_253] : memref<6400xi32, #tpu.memory_space<vmem>> -> memref<320xi32, #tpu.memory_space<vmem>>
    %dma_start3A_255 = arith.constant 0 : i32
    %dma_start3A_256 = arith.constant 0 : i32
    %dma_start3A_257 = tpu.memref_slice %arg3[%dma_start3A_255, %dma_start3A_256] : memref<100000x128xf32, #tpu.memory_space<hbm>> -> memref<100000x128xf32, #tpu.memory_space<hbm>>
    tpu.enqueue_indirect_dma source(%dma_start3A_257 : memref<100000x128xf32, #tpu.memory_space<hbm>>) target(%arg7 : memref<320x128xf32, #tpu.memory_space<vmem>>) offsets(%dma_start3A_254 : memref<320xi32, #tpu.memory_space<vmem>>) semaphore(%arg10 : memref<!tpu.dma_semaphore, #tpu.memory_space<semaphore_mem>>)
    %dma_wait3A_258 = arith.constant 3520 : i32
    %dma_wait3A_259 = tpu.memref_slice %arg5[%dma_wait3A_258] : memref<6400xi32, #tpu.memory_space<vmem>> -> memref<320xi32, #tpu.memory_space<vmem>>
    %dma_wait3A_260 = arith.constant 0 : i32
    %dma_wait3A_261 = arith.constant 0 : i32
    %dma_wait3A_262 = tpu.memref_slice %arg3[%dma_wait3A_260, %dma_wait3A_261] : memref<100000x128xf32, #tpu.memory_space<hbm>> -> memref<100000x128xf32, #tpu.memory_space<hbm>>
    tpu.wait_indirect_dma semaphore(%arg11 : memref<!tpu.dma_semaphore, #tpu.memory_space<semaphore_mem>>) src(%dma_wait3A_262 : memref<100000x128xf32, #tpu.memory_space<hbm>>) dst(%arg8 : memref<320x128xf32, #tpu.memory_space<vmem>>)
    %add3A_263 = arith.constant 3520 : i32
    %add3A_264 = arith.addi %mul3A_2, %add3A_263 : i32
    %dma_start3A_265 = arith.constant 0 : i32
    %dma_start3A_266 = tpu.memref_slice %arg4[%add3A_264, %dma_start3A_265] : memref<204800x128xf32, #tpu.memory_space<hbm>> -> memref<320x128xf32, #tpu.memory_space<hbm>>
    %dma_start3A_267 = arith.constant 0 : i32
    %dma_start3A_268 = tpu.memref_slice %arg4[%add3A_264, %dma_start3A_267] : memref<204800x128xf32, #tpu.memory_space<hbm>> -> memref<320x128xf32, #tpu.memory_space<hbm>>
    tpu.enqueue_dma source(%arg8 : memref<320x128xf32, #tpu.memory_space<vmem>>) target(%dma_start3A_268 : memref<320x128xf32, #tpu.memory_space<hbm>>) target_semaphore(%arg14 : memref<!tpu.dma_semaphore, #tpu.memory_space<semaphore_mem>>)
    %add3A_269 = arith.constant 3520 : i32
    %add3A_270 = arith.addi %mul3A_2, %add3A_269 : i32
    %dma_wait3A_271 = arith.constant 0 : i32
    %dma_wait3A_272 = tpu.memref_slice %arg4[%add3A_270, %dma_wait3A_271] : memref<204800x128xf32, #tpu.memory_space<hbm>> -> memref<320x128xf32, #tpu.memory_space<hbm>>
    %dma_wait3A_273 = arith.constant 0 : i32
    %dma_wait3A_274 = tpu.memref_slice %arg4[%add3A_270, %dma_wait3A_273] : memref<204800x128xf32, #tpu.memory_space<hbm>> -> memref<320x128xf32, #tpu.memory_space<hbm>>
    tpu.wait_dma2 semaphore(%arg14 : memref<!tpu.dma_semaphore, #tpu.memory_space<semaphore_mem>>) src(%arg8 : memref<320x128xf32, #tpu.memory_space<vmem>>) dst(%dma_wait3A_274 : memref<320x128xf32, #tpu.memory_space<hbm>>)
    %dma_start3A_275 = arith.constant 4480 : i32
    %dma_start3A_276 = tpu.memref_slice %arg5[%dma_start3A_275] : memref<6400xi32, #tpu.memory_space<vmem>> -> memref<320xi32, #tpu.memory_space<vmem>>
    %dma_start3A_277 = arith.constant 0 : i32
    %dma_start3A_278 = arith.constant 0 : i32
    %dma_start3A_279 = tpu.memref_slice %arg3[%dma_start3A_277, %dma_start3A_278] : memref<100000x128xf32, #tpu.memory_space<hbm>> -> memref<100000x128xf32, #tpu.memory_space<hbm>>
    tpu.enqueue_indirect_dma source(%dma_start3A_279 : memref<100000x128xf32, #tpu.memory_space<hbm>>) target(%arg8 : memref<320x128xf32, #tpu.memory_space<vmem>>) offsets(%dma_start3A_276 : memref<320xi32, #tpu.memory_space<vmem>>) semaphore(%arg11 : memref<!tpu.dma_semaphore, #tpu.memory_space<semaphore_mem>>)
    %dma_wait3A_280 = arith.constant 3840 : i32
    %dma_wait3A_281 = tpu.memref_slice %arg5[%dma_wait3A_280] : memref<6400xi32, #tpu.memory_space<vmem>> -> memref<320xi32, #tpu.memory_space<vmem>>
    %dma_wait3A_282 = arith.constant 0 : i32
    %dma_wait3A_283 = arith.constant 0 : i32
    %dma_wait3A_284 = tpu.memref_slice %arg3[%dma_wait3A_282, %dma_wait3A_283] : memref<100000x128xf32, #tpu.memory_space<hbm>> -> memref<100000x128xf32, #tpu.memory_space<hbm>>
    tpu.wait_indirect_dma semaphore(%arg9 : memref<!tpu.dma_semaphore, #tpu.memory_space<semaphore_mem>>) src(%dma_wait3A_284 : memref<100000x128xf32, #tpu.memory_space<hbm>>) dst(%arg6 : memref<320x128xf32, #tpu.memory_space<vmem>>)
    %add3A_285 = arith.constant 3840 : i32
    %add3A_286 = arith.addi %mul3A_2, %add3A_285 : i32
    %dma_start3A_287 = arith.constant 0 : i32
    %dma_start3A_288 = tpu.memref_slice %arg4[%add3A_286, %dma_start3A_287] : memref<204800x128xf32, #tpu.memory_space<hbm>> -> memref<320x128xf32, #tpu.memory_space<hbm>>
    %dma_start3A_289 = arith.constant 0 : i32
    %dma_start3A_290 = tpu.memref_slice %arg4[%add3A_286, %dma_start3A_289] : memref<204800x128xf32, #tpu.memory_space<hbm>> -> memref<320x128xf32, #tpu.memory_space<hbm>>
    tpu.enqueue_dma source(%arg6 : memref<320x128xf32, #tpu.memory_space<vmem>>) target(%dma_start3A_290 : memref<320x128xf32, #tpu.memory_space<hbm>>) target_semaphore(%arg12 : memref<!tpu.dma_semaphore, #tpu.memory_space<semaphore_mem>>)
    %add3A_291 = arith.constant 3840 : i32
    %add3A_292 = arith.addi %mul3A_2, %add3A_291 : i32
    %dma_wait3A_293 = arith.constant 0 : i32
    %dma_wait3A_294 = tpu.memref_slice %arg4[%add3A_292, %dma_wait3A_293] : memref<204800x128xf32, #tpu.memory_space<hbm>> -> memref<320x128xf32, #tpu.memory_space<hbm>>
    %dma_wait3A_295 = arith.constant 0 : i32
    %dma_wait3A_296 = tpu.memref_slice %arg4[%add3A_292, %dma_wait3A_295] : memref<204800x128xf32, #tpu.memory_space<hbm>> -> memref<320x128xf32, #tpu.memory_space<hbm>>
    tpu.wait_dma2 semaphore(%arg12 : memref<!tpu.dma_semaphore, #tpu.memory_space<semaphore_mem>>) src(%arg6 : memref<320x128xf32, #tpu.memory_space<vmem>>) dst(%dma_wait3A_296 : memref<320x128xf32, #tpu.memory_space<hbm>>)
    %dma_start3A_297 = arith.constant 4800 : i32
    %dma_start3A_298 = tpu.memref_slice %arg5[%dma_start3A_297] : memref<6400xi32, #tpu.memory_space<vmem>> -> memref<320xi32, #tpu.memory_space<vmem>>
    %dma_start3A_299 = arith.constant 0 : i32
    %dma_start3A_300 = arith.constant 0 : i32
    %dma_start3A_301 = tpu.memref_slice %arg3[%dma_start3A_299, %dma_start3A_300] : memref<100000x128xf32, #tpu.memory_space<hbm>> -> memref<100000x128xf32, #tpu.memory_space<hbm>>
    tpu.enqueue_indirect_dma source(%dma_start3A_301 : memref<100000x128xf32, #tpu.memory_space<hbm>>) target(%arg6 : memref<320x128xf32, #tpu.memory_space<vmem>>) offsets(%dma_start3A_298 : memref<320xi32, #tpu.memory_space<vmem>>) semaphore(%arg9 : memref<!tpu.dma_semaphore, #tpu.memory_space<semaphore_mem>>)
    %dma_wait3A_302 = arith.constant 4160 : i32
    %dma_wait3A_303 = tpu.memref_slice %arg5[%dma_wait3A_302] : memref<6400xi32, #tpu.memory_space<vmem>> -> memref<320xi32, #tpu.memory_space<vmem>>
    %dma_wait3A_304 = arith.constant 0 : i32
    %dma_wait3A_305 = arith.constant 0 : i32
    %dma_wait3A_306 = tpu.memref_slice %arg3[%dma_wait3A_304, %dma_wait3A_305] : memref<100000x128xf32, #tpu.memory_space<hbm>> -> memref<100000x128xf32, #tpu.memory_space<hbm>>
    tpu.wait_indirect_dma semaphore(%arg10 : memref<!tpu.dma_semaphore, #tpu.memory_space<semaphore_mem>>) src(%dma_wait3A_306 : memref<100000x128xf32, #tpu.memory_space<hbm>>) dst(%arg7 : memref<320x128xf32, #tpu.memory_space<vmem>>)
    %add3A_307 = arith.constant 4160 : i32
    %add3A_308 = arith.addi %mul3A_2, %add3A_307 : i32
    %dma_start3A_309 = arith.constant 0 : i32
    %dma_start3A_310 = tpu.memref_slice %arg4[%add3A_308, %dma_start3A_309] : memref<204800x128xf32, #tpu.memory_space<hbm>> -> memref<320x128xf32, #tpu.memory_space<hbm>>
    %dma_start3A_311 = arith.constant 0 : i32
    %dma_start3A_312 = tpu.memref_slice %arg4[%add3A_308, %dma_start3A_311] : memref<204800x128xf32, #tpu.memory_space<hbm>> -> memref<320x128xf32, #tpu.memory_space<hbm>>
    tpu.enqueue_dma source(%arg7 : memref<320x128xf32, #tpu.memory_space<vmem>>) target(%dma_start3A_312 : memref<320x128xf32, #tpu.memory_space<hbm>>) target_semaphore(%arg13 : memref<!tpu.dma_semaphore, #tpu.memory_space<semaphore_mem>>)
    %add3A_313 = arith.constant 4160 : i32
    %add3A_314 = arith.addi %mul3A_2, %add3A_313 : i32
    %dma_wait3A_315 = arith.constant 0 : i32
    %dma_wait3A_316 = tpu.memref_slice %arg4[%add3A_314, %dma_wait3A_315] : memref<204800x128xf32, #tpu.memory_space<hbm>> -> memref<320x128xf32, #tpu.memory_space<hbm>>
    %dma_wait3A_317 = arith.constant 0 : i32
    %dma_wait3A_318 = tpu.memref_slice %arg4[%add3A_314, %dma_wait3A_317] : memref<204800x128xf32, #tpu.memory_space<hbm>> -> memref<320x128xf32, #tpu.memory_space<hbm>>
    tpu.wait_dma2 semaphore(%arg13 : memref<!tpu.dma_semaphore, #tpu.memory_space<semaphore_mem>>) src(%arg7 : memref<320x128xf32, #tpu.memory_space<vmem>>) dst(%dma_wait3A_318 : memref<320x128xf32, #tpu.memory_space<hbm>>)
    %dma_start3A_319 = arith.constant 5120 : i32
    %dma_start3A_320 = tpu.memref_slice %arg5[%dma_start3A_319] : memref<6400xi32, #tpu.memory_space<vmem>> -> memref<320xi32, #tpu.memory_space<vmem>>
    %dma_start3A_321 = arith.constant 0 : i32
    %dma_start3A_322 = arith.constant 0 : i32
    %dma_start3A_323 = tpu.memref_slice %arg3[%dma_start3A_321, %dma_start3A_322] : memref<100000x128xf32, #tpu.memory_space<hbm>> -> memref<100000x128xf32, #tpu.memory_space<hbm>>
    tpu.enqueue_indirect_dma source(%dma_start3A_323 : memref<100000x128xf32, #tpu.memory_space<hbm>>) target(%arg7 : memref<320x128xf32, #tpu.memory_space<vmem>>) offsets(%dma_start3A_320 : memref<320xi32, #tpu.memory_space<vmem>>) semaphore(%arg10 : memref<!tpu.dma_semaphore, #tpu.memory_space<semaphore_mem>>)
    %dma_wait3A_324 = arith.constant 4480 : i32
    %dma_wait3A_325 = tpu.memref_slice %arg5[%dma_wait3A_324] : memref<6400xi32, #tpu.memory_space<vmem>> -> memref<320xi32, #tpu.memory_space<vmem>>
    %dma_wait3A_326 = arith.constant 0 : i32
    %dma_wait3A_327 = arith.constant 0 : i32
    %dma_wait3A_328 = tpu.memref_slice %arg3[%dma_wait3A_326, %dma_wait3A_327] : memref<100000x128xf32, #tpu.memory_space<hbm>> -> memref<100000x128xf32, #tpu.memory_space<hbm>>
    tpu.wait_indirect_dma semaphore(%arg11 : memref<!tpu.dma_semaphore, #tpu.memory_space<semaphore_mem>>) src(%dma_wait3A_328 : memref<100000x128xf32, #tpu.memory_space<hbm>>) dst(%arg8 : memref<320x128xf32, #tpu.memory_space<vmem>>)
    %add3A_329 = arith.constant 4480 : i32
    %add3A_330 = arith.addi %mul3A_2, %add3A_329 : i32
    %dma_start3A_331 = arith.constant 0 : i32
    %dma_start3A_332 = tpu.memref_slice %arg4[%add3A_330, %dma_start3A_331] : memref<204800x128xf32, #tpu.memory_space<hbm>> -> memref<320x128xf32, #tpu.memory_space<hbm>>
    %dma_start3A_333 = arith.constant 0 : i32
    %dma_start3A_334 = tpu.memref_slice %arg4[%add3A_330, %dma_start3A_333] : memref<204800x128xf32, #tpu.memory_space<hbm>> -> memref<320x128xf32, #tpu.memory_space<hbm>>
    tpu.enqueue_dma source(%arg8 : memref<320x128xf32, #tpu.memory_space<vmem>>) target(%dma_start3A_334 : memref<320x128xf32, #tpu.memory_space<hbm>>) target_semaphore(%arg14 : memref<!tpu.dma_semaphore, #tpu.memory_space<semaphore_mem>>)
    %add3A_335 = arith.constant 4480 : i32
    %add3A_336 = arith.addi %mul3A_2, %add3A_335 : i32
    %dma_wait3A_337 = arith.constant 0 : i32
    %dma_wait3A_338 = tpu.memref_slice %arg4[%add3A_336, %dma_wait3A_337] : memref<204800x128xf32, #tpu.memory_space<hbm>> -> memref<320x128xf32, #tpu.memory_space<hbm>>
    %dma_wait3A_339 = arith.constant 0 : i32
    %dma_wait3A_340 = tpu.memref_slice %arg4[%add3A_336, %dma_wait3A_339] : memref<204800x128xf32, #tpu.memory_space<hbm>> -> memref<320x128xf32, #tpu.memory_space<hbm>>
    tpu.wait_dma2 semaphore(%arg14 : memref<!tpu.dma_semaphore, #tpu.memory_space<semaphore_mem>>) src(%arg8 : memref<320x128xf32, #tpu.memory_space<vmem>>) dst(%dma_wait3A_340 : memref<320x128xf32, #tpu.memory_space<hbm>>)
    %dma_start3A_341 = arith.constant 5440 : i32
    %dma_start3A_342 = tpu.memref_slice %arg5[%dma_start3A_341] : memref<6400xi32, #tpu.memory_space<vmem>> -> memref<320xi32, #tpu.memory_space<vmem>>
    %dma_start3A_343 = arith.constant 0 : i32
    %dma_start3A_344 = arith.constant 0 : i32
    %dma_start3A_345 = tpu.memref_slice %arg3[%dma_start3A_343, %dma_start3A_344] : memref<100000x128xf32, #tpu.memory_space<hbm>> -> memref<100000x128xf32, #tpu.memory_space<hbm>>
    tpu.enqueue_indirect_dma source(%dma_start3A_345 : memref<100000x128xf32, #tpu.memory_space<hbm>>) target(%arg8 : memref<320x128xf32, #tpu.memory_space<vmem>>) offsets(%dma_start3A_342 : memref<320xi32, #tpu.memory_space<vmem>>) semaphore(%arg11 : memref<!tpu.dma_semaphore, #tpu.memory_space<semaphore_mem>>)
    %dma_wait3A_346 = arith.constant 4800 : i32
    %dma_wait3A_347 = tpu.memref_slice %arg5[%dma_wait3A_346] : memref<6400xi32, #tpu.memory_space<vmem>> -> memref<320xi32, #tpu.memory_space<vmem>>
    %dma_wait3A_348 = arith.constant 0 : i32
    %dma_wait3A_349 = arith.constant 0 : i32
    %dma_wait3A_350 = tpu.memref_slice %arg3[%dma_wait3A_348, %dma_wait3A_349] : memref<100000x128xf32, #tpu.memory_space<hbm>> -> memref<100000x128xf32, #tpu.memory_space<hbm>>
    tpu.wait_indirect_dma semaphore(%arg9 : memref<!tpu.dma_semaphore, #tpu.memory_space<semaphore_mem>>) src(%dma_wait3A_350 : memref<100000x128xf32, #tpu.memory_space<hbm>>) dst(%arg6 : memref<320x128xf32, #tpu.memory_space<vmem>>)
    %add3A_351 = arith.constant 4800 : i32
    %add3A_352 = arith.addi %mul3A_2, %add3A_351 : i32
    %dma_start3A_353 = arith.constant 0 : i32
    %dma_start3A_354 = tpu.memref_slice %arg4[%add3A_352, %dma_start3A_353] : memref<204800x128xf32, #tpu.memory_space<hbm>> -> memref<320x128xf32, #tpu.memory_space<hbm>>
    %dma_start3A_355 = arith.constant 0 : i32
    %dma_start3A_356 = tpu.memref_slice %arg4[%add3A_352, %dma_start3A_355] : memref<204800x128xf32, #tpu.memory_space<hbm>> -> memref<320x128xf32, #tpu.memory_space<hbm>>
    tpu.enqueue_dma source(%arg6 : memref<320x128xf32, #tpu.memory_space<vmem>>) target(%dma_start3A_356 : memref<320x128xf32, #tpu.memory_space<hbm>>) target_semaphore(%arg12 : memref<!tpu.dma_semaphore, #tpu.memory_space<semaphore_mem>>)
    %add3A_357 = arith.constant 4800 : i32
    %add3A_358 = arith.addi %mul3A_2, %add3A_357 : i32
    %dma_wait3A_359 = arith.constant 0 : i32
    %dma_wait3A_360 = tpu.memref_slice %arg4[%add3A_358, %dma_wait3A_359] : memref<204800x128xf32, #tpu.memory_space<hbm>> -> memref<320x128xf32, #tpu.memory_space<hbm>>
    %dma_wait3A_361 = arith.constant 0 : i32
    %dma_wait3A_362 = tpu.memref_slice %arg4[%add3A_358, %dma_wait3A_361] : memref<204800x128xf32, #tpu.memory_space<hbm>> -> memref<320x128xf32, #tpu.memory_space<hbm>>
    tpu.wait_dma2 semaphore(%arg12 : memref<!tpu.dma_semaphore, #tpu.memory_space<semaphore_mem>>) src(%arg6 : memref<320x128xf32, #tpu.memory_space<vmem>>) dst(%dma_wait3A_362 : memref<320x128xf32, #tpu.memory_space<hbm>>)
    %dma_start3A_363 = arith.constant 5760 : i32
    %dma_start3A_364 = tpu.memref_slice %arg5[%dma_start3A_363] : memref<6400xi32, #tpu.memory_space<vmem>> -> memref<320xi32, #tpu.memory_space<vmem>>
    %dma_start3A_365 = arith.constant 0 : i32
    %dma_start3A_366 = arith.constant 0 : i32
    %dma_start3A_367 = tpu.memref_slice %arg3[%dma_start3A_365, %dma_start3A_366] : memref<100000x128xf32, #tpu.memory_space<hbm>> -> memref<100000x128xf32, #tpu.memory_space<hbm>>
    tpu.enqueue_indirect_dma source(%dma_start3A_367 : memref<100000x128xf32, #tpu.memory_space<hbm>>) target(%arg6 : memref<320x128xf32, #tpu.memory_space<vmem>>) offsets(%dma_start3A_364 : memref<320xi32, #tpu.memory_space<vmem>>) semaphore(%arg9 : memref<!tpu.dma_semaphore, #tpu.memory_space<semaphore_mem>>)
    %dma_wait3A_368 = arith.constant 5120 : i32
    %dma_wait3A_369 = tpu.memref_slice %arg5[%dma_wait3A_368] : memref<6400xi32, #tpu.memory_space<vmem>> -> memref<320xi32, #tpu.memory_space<vmem>>
    %dma_wait3A_370 = arith.constant 0 : i32
    %dma_wait3A_371 = arith.constant 0 : i32
    %dma_wait3A_372 = tpu.memref_slice %arg3[%dma_wait3A_370, %dma_wait3A_371] : memref<100000x128xf32, #tpu.memory_space<hbm>> -> memref<100000x128xf32, #tpu.memory_space<hbm>>
    tpu.wait_indirect_dma semaphore(%arg10 : memref<!tpu.dma_semaphore, #tpu.memory_space<semaphore_mem>>) src(%dma_wait3A_372 : memref<100000x128xf32, #tpu.memory_space<hbm>>) dst(%arg7 : memref<320x128xf32, #tpu.memory_space<vmem>>)
    %add3A_373 = arith.constant 5120 : i32
    %add3A_374 = arith.addi %mul3A_2, %add3A_373 : i32
    %dma_start3A_375 = arith.constant 0 : i32
    %dma_start3A_376 = tpu.memref_slice %arg4[%add3A_374, %dma_start3A_375] : memref<204800x128xf32, #tpu.memory_space<hbm>> -> memref<320x128xf32, #tpu.memory_space<hbm>>
    %dma_start3A_377 = arith.constant 0 : i32
    %dma_start3A_378 = tpu.memref_slice %arg4[%add3A_374, %dma_start3A_377] : memref<204800x128xf32, #tpu.memory_space<hbm>> -> memref<320x128xf32, #tpu.memory_space<hbm>>
    tpu.enqueue_dma source(%arg7 : memref<320x128xf32, #tpu.memory_space<vmem>>) target(%dma_start3A_378 : memref<320x128xf32, #tpu.memory_space<hbm>>) target_semaphore(%arg13 : memref<!tpu.dma_semaphore, #tpu.memory_space<semaphore_mem>>)
    %add3A_379 = arith.constant 5120 : i32
    %add3A_380 = arith.addi %mul3A_2, %add3A_379 : i32
    %dma_wait3A_381 = arith.constant 0 : i32
    %dma_wait3A_382 = tpu.memref_slice %arg4[%add3A_380, %dma_wait3A_381] : memref<204800x128xf32, #tpu.memory_space<hbm>> -> memref<320x128xf32, #tpu.memory_space<hbm>>
    %dma_wait3A_383 = arith.constant 0 : i32
    %dma_wait3A_384 = tpu.memref_slice %arg4[%add3A_380, %dma_wait3A_383] : memref<204800x128xf32, #tpu.memory_space<hbm>> -> memref<320x128xf32, #tpu.memory_space<hbm>>
    tpu.wait_dma2 semaphore(%arg13 : memref<!tpu.dma_semaphore, #tpu.memory_space<semaphore_mem>>) src(%arg7 : memref<320x128xf32, #tpu.memory_space<vmem>>) dst(%dma_wait3A_384 : memref<320x128xf32, #tpu.memory_space<hbm>>)
    %dma_start3A_385 = arith.constant 6080 : i32
    %dma_start3A_386 = tpu.memref_slice %arg5[%dma_start3A_385] : memref<6400xi32, #tpu.memory_space<vmem>> -> memref<320xi32, #tpu.memory_space<vmem>>
    %dma_start3A_387 = arith.constant 0 : i32
    %dma_start3A_388 = arith.constant 0 : i32
    %dma_start3A_389 = tpu.memref_slice %arg3[%dma_start3A_387, %dma_start3A_388] : memref<100000x128xf32, #tpu.memory_space<hbm>> -> memref<100000x128xf32, #tpu.memory_space<hbm>>
    tpu.enqueue_indirect_dma source(%dma_start3A_389 : memref<100000x128xf32, #tpu.memory_space<hbm>>) target(%arg7 : memref<320x128xf32, #tpu.memory_space<vmem>>) offsets(%dma_start3A_386 : memref<320xi32, #tpu.memory_space<vmem>>) semaphore(%arg10 : memref<!tpu.dma_semaphore, #tpu.memory_space<semaphore_mem>>)
    %dma_wait3A_390 = arith.constant 5440 : i32
    %dma_wait3A_391 = tpu.memref_slice %arg5[%dma_wait3A_390] : memref<6400xi32, #tpu.memory_space<vmem>> -> memref<320xi32, #tpu.memory_space<vmem>>
    %dma_wait3A_392 = arith.constant 0 : i32
    %dma_wait3A_393 = arith.constant 0 : i32
    %dma_wait3A_394 = tpu.memref_slice %arg3[%dma_wait3A_392, %dma_wait3A_393] : memref<100000x128xf32, #tpu.memory_space<hbm>> -> memref<100000x128xf32, #tpu.memory_space<hbm>>
    tpu.wait_indirect_dma semaphore(%arg11 : memref<!tpu.dma_semaphore, #tpu.memory_space<semaphore_mem>>) src(%dma_wait3A_394 : memref<100000x128xf32, #tpu.memory_space<hbm>>) dst(%arg8 : memref<320x128xf32, #tpu.memory_space<vmem>>)
    %add3A_395 = arith.constant 5440 : i32
    %add3A_396 = arith.addi %mul3A_2, %add3A_395 : i32
    %dma_start3A_397 = arith.constant 0 : i32
    %dma_start3A_398 = tpu.memref_slice %arg4[%add3A_396, %dma_start3A_397] : memref<204800x128xf32, #tpu.memory_space<hbm>> -> memref<320x128xf32, #tpu.memory_space<hbm>>
    %dma_start3A_399 = arith.constant 0 : i32
    %dma_start3A_400 = tpu.memref_slice %arg4[%add3A_396, %dma_start3A_399] : memref<204800x128xf32, #tpu.memory_space<hbm>> -> memref<320x128xf32, #tpu.memory_space<hbm>>
    tpu.enqueue_dma source(%arg8 : memref<320x128xf32, #tpu.memory_space<vmem>>) target(%dma_start3A_400 : memref<320x128xf32, #tpu.memory_space<hbm>>) target_semaphore(%arg14 : memref<!tpu.dma_semaphore, #tpu.memory_space<semaphore_mem>>)
    %dma_wait3A_401 = arith.constant 5760 : i32
    %dma_wait3A_402 = tpu.memref_slice %arg5[%dma_wait3A_401] : memref<6400xi32, #tpu.memory_space<vmem>> -> memref<320xi32, #tpu.memory_space<vmem>>
    %dma_wait3A_403 = arith.constant 0 : i32
    %dma_wait3A_404 = arith.constant 0 : i32
    %dma_wait3A_405 = tpu.memref_slice %arg3[%dma_wait3A_403, %dma_wait3A_404] : memref<100000x128xf32, #tpu.memory_space<hbm>> -> memref<100000x128xf32, #tpu.memory_space<hbm>>
    tpu.wait_indirect_dma semaphore(%arg9 : memref<!tpu.dma_semaphore, #tpu.memory_space<semaphore_mem>>) src(%dma_wait3A_405 : memref<100000x128xf32, #tpu.memory_space<hbm>>) dst(%arg6 : memref<320x128xf32, #tpu.memory_space<vmem>>)
    %add3A_406 = arith.constant 5760 : i32
    %add3A_407 = arith.addi %mul3A_2, %add3A_406 : i32
    %dma_start3A_408 = arith.constant 0 : i32
    %dma_start3A_409 = tpu.memref_slice %arg4[%add3A_407, %dma_start3A_408] : memref<204800x128xf32, #tpu.memory_space<hbm>> -> memref<320x128xf32, #tpu.memory_space<hbm>>
    %dma_start3A_410 = arith.constant 0 : i32
    %dma_start3A_411 = tpu.memref_slice %arg4[%add3A_407, %dma_start3A_410] : memref<204800x128xf32, #tpu.memory_space<hbm>> -> memref<320x128xf32, #tpu.memory_space<hbm>>
    tpu.enqueue_dma source(%arg6 : memref<320x128xf32, #tpu.memory_space<vmem>>) target(%dma_start3A_411 : memref<320x128xf32, #tpu.memory_space<hbm>>) target_semaphore(%arg12 : memref<!tpu.dma_semaphore, #tpu.memory_space<semaphore_mem>>)
    %dma_wait3A_412 = arith.constant 6080 : i32
    %dma_wait3A_413 = tpu.memref_slice %arg5[%dma_wait3A_412] : memref<6400xi32, #tpu.memory_space<vmem>> -> memref<320xi32, #tpu.memory_space<vmem>>
    %dma_wait3A_414 = arith.constant 0 : i32
    %dma_wait3A_415 = arith.constant 0 : i32
    %dma_wait3A_416 = tpu.memref_slice %arg3[%dma_wait3A_414, %dma_wait3A_415] : memref<100000x128xf32, #tpu.memory_space<hbm>> -> memref<100000x128xf32, #tpu.memory_space<hbm>>
    tpu.wait_indirect_dma semaphore(%arg10 : memref<!tpu.dma_semaphore, #tpu.memory_space<semaphore_mem>>) src(%dma_wait3A_416 : memref<100000x128xf32, #tpu.memory_space<hbm>>) dst(%arg7 : memref<320x128xf32, #tpu.memory_space<vmem>>)
    %add3A_417 = arith.constant 6080 : i32
    %add3A_418 = arith.addi %mul3A_2, %add3A_417 : i32
    %dma_start3A_419 = arith.constant 0 : i32
    %dma_start3A_420 = tpu.memref_slice %arg4[%add3A_418, %dma_start3A_419] : memref<204800x128xf32, #tpu.memory_space<hbm>> -> memref<320x128xf32, #tpu.memory_space<hbm>>
    %dma_start3A_421 = arith.constant 0 : i32
    %dma_start3A_422 = tpu.memref_slice %arg4[%add3A_418, %dma_start3A_421] : memref<204800x128xf32, #tpu.memory_space<hbm>> -> memref<320x128xf32, #tpu.memory_space<hbm>>
    tpu.enqueue_dma source(%arg7 : memref<320x128xf32, #tpu.memory_space<vmem>>) target(%dma_start3A_422 : memref<320x128xf32, #tpu.memory_space<hbm>>) target_semaphore(%arg13 : memref<!tpu.dma_semaphore, #tpu.memory_space<semaphore_mem>>)
    %add3A_423 = arith.constant 0 : i32
    %add3A_424 = arith.addi %mul3A_2, %add3A_423 : i32
    %dma_wait3A_425 = arith.constant 0 : i32
    %dma_wait3A_426 = tpu.memref_slice %arg4[%add3A_424, %dma_wait3A_425] : memref<204800x128xf32, #tpu.memory_space<hbm>> -> memref<320x128xf32, #tpu.memory_space<hbm>>
    %dma_wait3A_427 = arith.constant 0 : i32
    %dma_wait3A_428 = tpu.memref_slice %arg4[%add3A_424, %dma_wait3A_427] : memref<204800x128xf32, #tpu.memory_space<hbm>> -> memref<320x128xf32, #tpu.memory_space<hbm>>
    tpu.wait_dma2 semaphore(%arg12 : memref<!tpu.dma_semaphore, #tpu.memory_space<semaphore_mem>>) src(%arg6 : memref<320x128xf32, #tpu.memory_space<vmem>>) dst(%dma_wait3A_428 : memref<320x128xf32, #tpu.memory_space<hbm>>)
    %add3A_429 = arith.constant 0 : i32
    %add3A_430 = arith.addi %mul3A_2, %add3A_429 : i32
    %dma_wait3A_431 = arith.constant 0 : i32
    %dma_wait3A_432 = tpu.memref_slice %arg4[%add3A_430, %dma_wait3A_431] : memref<204800x128xf32, #tpu.memory_space<hbm>> -> memref<320x128xf32, #tpu.memory_space<hbm>>
    %dma_wait3A_433 = arith.constant 0 : i32
    %dma_wait3A_434 = tpu.memref_slice %arg4[%add3A_430, %dma_wait3A_433] : memref<204800x128xf32, #tpu.memory_space<hbm>> -> memref<320x128xf32, #tpu.memory_space<hbm>>
    tpu.wait_dma2 semaphore(%arg13 : memref<!tpu.dma_semaphore, #tpu.memory_space<semaphore_mem>>) src(%arg7 : memref<320x128xf32, #tpu.memory_space<vmem>>) dst(%dma_wait3A_434 : memref<320x128xf32, #tpu.memory_space<hbm>>)
    %add3A_435 = arith.constant 0 : i32
    %add3A_436 = arith.addi %mul3A_2, %add3A_435 : i32
    %dma_wait3A_437 = arith.constant 0 : i32
    %dma_wait3A_438 = tpu.memref_slice %arg4[%add3A_436, %dma_wait3A_437] : memref<204800x128xf32, #tpu.memory_space<hbm>> -> memref<320x128xf32, #tpu.memory_space<hbm>>
    %dma_wait3A_439 = arith.constant 0 : i32
    %dma_wait3A_440 = tpu.memref_slice %arg4[%add3A_436, %dma_wait3A_439] : memref<204800x128xf32, #tpu.memory_space<hbm>> -> memref<320x128xf32, #tpu.memory_space<hbm>>
    tpu.wait_dma2 semaphore(%arg14 : memref<!tpu.dma_semaphore, #tpu.memory_space<semaphore_mem>>) src(%arg8 : memref<320x128xf32, #tpu.memory_space<vmem>>) dst(%dma_wait3A_440 : memref<320x128xf32, #tpu.memory_space<hbm>>)
    return
  }
}

</mosaic_0001>

<sc_bundles>
// kernel: kernel.3.cloned.1.call-start
scs
__scs_entry_jumppad:
0x0: {  	(pc) =	sbr.rel $0x88, $3  }
0x1: {  	(tag) =	ssettag $0x0;
	lr =	simm.s32 $0x1  }
0x2: {  	[smem:$0x3F9F] =	sst lr;
	_ =	strace $0xD0000000  }
0x3: {  	_ = 	snop  }
0x4: {  	_ = 	snop  }
0x5: {  	_ = 	snop  }
0x6: {  	_ = 	snop  }
0x7: {  	_ = 	snop  }
__scs_overlays_trampoline_lowered:
0x8: {  	[smem:$0x3FAE] =	sst s0  }
0x9: {  	[smem:$0x3FAF] =	sst s1  }
0xa: {  	[smem:$0x3FB0] =	sst s2  }
0xb: {  	[smem:$0x3FB1] =	sst s3  }
0xc: {  	[smem:$0x3FB2] =	sst s4  }
0xd: {  	[smem:$0x3FB3] =	sst s5  }
0xe: {  	[smem:$0x3FB4] =	sst s6  }
0xf: {  	[smem:$0x3FB5] =	sst s7  }
0x10: {  	[smem:$0x3FB6] =	sst s8  }
0x11: {  	[smem:$0x3FB7] =	sst s9;
	s0 =	simm.s32 @!p0 $0x0  }
0x12: {  	s1 =	sld [smem:$0x3F9D];
	s0 =	simm.s32 @p0 $0x1  }
0x13: {  	[smem:$0x3FB8] =	sst s0;
	s0 =	simm.s32 @!p1 $0x0  }
0x14: {  	s2 =	sld [smem:$0x3F9C];
	s0 =	simm.s32 @p1 $0x1  }
0x15: {  	[smem:$0x3FB9] =	sst s0;
	s0 =	simm.s32 @!p2 $0x0  }
0x16: {  	s3 =	sld [smem:$0x3FDB];
	s0 =	simm.s32 @p2 $0x1  }
0x17: {  	s4 =	simm.s32 $0x1BF5;
	[smem:$0x3FBB] =	sst s0  }
0x18: {  	s0 =	sld [smem:$0x3F9E];
	_ =	swait.ge [sflag:s4], $0x0  }
0x19: {  	s7 =	sld [smem:$0x3F9F]  }
0x1a: {  	s8 =	sadd.s32 $0xFFFFE003, lr  }
0x1b: {  	s9 =	sadd.s32 $0xFFFFFEF7, lr;
	s5 =	simm.s32 $0xFFFFFFFF;
	p2 =	slt.u32 s8, $0xFFFFF086  }
0x1c: {  	p1 =	slt.u32 s9, $0xF7A;
	s5 =	simm.s32 @!p2 $0x0  }
0x1d: {  	s5 =	simm.s32 @p1 $0x1;
	p0 =	seq.s32 s7, s2  }
0x1e: {  	s7 =	smul.u32 @!p0 $0xF7A, s2;
	p2 =	seq.s32 @!p0 s5, $0x0  }
0x1f: {  	s9 =	smul.u32 $0xF7A, s1;
	s8 =	simm.s32 @!p0 $0x1BF5;
	p2 =	por !p2, p0  }
0x20: {  	[sflag:s8] =	ssyncset.s32 @!p0 $0xFFFFF086;
	s6 =	sadd.s32 @!p0 s3, s7;
	s7 =	simm.s32 @!p0 $0x108  }
0x21: {  	s3 =	sadd.s32 s3, s9;
	s6 =	sadd.s32 @!p0 $0x88, s6;
	s7 =	simm.s32 @p2 $0x1082  }
0x22: {  	[simem:s7], [sflag:s8] =	dma.local @!p0 [hbm:s6], $0xF7A  }
0x23: {  	s9 =	sor.u32 $0xD0000000, s2;
	s6 =	simm.s32 $0x108;
	_ =	swait.ge @!p0 [sflag:s8], $0x0  }
0x24: {  	s3 =	sadd.s32 $0x88, s3;
	s6 =	simm.s32 @!p1 $0x1082;
	[sflag:s4] =	ssyncset.s32 $0xFFFFF086  }
0x25: {  	[simem:s6], [sflag:s4] =	dma.local [hbm:s3], $0xF7A  }
0x26: {  	[smem:$0x3F9F] =	sst s1;
	(tag) =	ssettag s2;
	_ =	strace s9  }
0x27: {  	s1 =	sld [smem:$0x3FAF]  }
0x28: {  	s2 =	sld [smem:$0x3FB0]  }
0x29: {  	s4 =	sld [smem:$0x3FB2]  }
0x2a: {  	p0 =	seq.s32 s5, $0x0;
	s5 =	sld [smem:$0x3FB3]  }
0x2b: {  	s6 =	sld [smem:$0x3FB4]  }
0x2c: {  	s7 =	sld [smem:$0x3FB5]  }
0x2d: {  	s3 =	simm.s32 $0x108;
	s8 =	sld [smem:$0x3FB6]  }
0x2e: {  	s3 =	simm.s32 @!p0 $0x1082;
	s9 =	sld [smem:$0x3FB7]  }
0x2f: {  	lr =	sadd.s32 s0, s3;
	s0 =	sld [smem:$0x3FAE]  }
0x30: {  	s3 =	sld [smem:$0x3FB1]  }
0x31: {  	[smem:$0x3FBA] =	sst s10  }
0x32: {  	s10 =	sld [smem:$0x3FB8];
	_ =	sdelay $0x3  }
0x33: {  	p0 =	seq.s32 s10, $0x1;
	s10 =	sld [smem:$0x3FBA];
	_ =	sdelay $0x3  }
0x34: {  	[smem:$0x3FBA] =	sst s10  }
0x35: {  	s10 =	sld [smem:$0x3FB9];
	_ =	sdelay $0x3  }
0x36: {  	p1 =	seq.s32 s10, $0x1;
	s10 =	sld [smem:$0x3FBA];
	_ =	sdelay $0x3  }
0x37: {  	[smem:$0x3FBA] =	sst s10  }
0x38: {  	s10 =	sld [smem:$0x3FBB]  }
0x39: {  	_ = 	snop;
	(pc) =	sbr.ind lr, $3  }
0x3a: {  	_ = 	snop  }
0x3b: {  	_ = 	snop  }
0x3c: {  	p2 =	seq.s32 s10, $0x1;
	s10 =	sld [smem:$0x3FBA]  }
0x3d: {  	_ =	shalt  }
0x3e: {  	_ =	shalt  }
0x3f: {  	_ =	shalt  }
0x40: {  	_ =	shalt  }
0x41: {  	_ =	shalt  }
0x42: {  	_ =	shalt  }
0x43: {  	_ =	shalt  }
0x44: {  	_ =	shalt  }
0x45: {  	_ =	shalt  }
0x46: {  	_ =	shalt  }
0x47: {  	_ =	shalt  }
0x48: {  	_ =	shalt  }
0x49: {  	_ =	shalt  }
0x4a: {  	_ =	shalt  }
0x4b: {  	_ =	shalt  }
0x4c: {  	_ =	shalt  }
0x4d: {  	_ =	shalt  }
0x4e: {  	_ =	shalt  }
0x4f: {  	_ =	shalt  }
0x50: {  	_ =	shalt  }
0x51: {  	_ =	shalt  }
0x52: {  	_ =	shalt  }
0x53: {  	_ =	shalt  }
0x54: {  	_ =	shalt  }
0x55: {  	_ =	shalt  }
0x56: {  	_ =	shalt  }
0x57: {  	_ =	shalt  }
0x58: {  	_ =	shalt  }
0x59: {  	_ =	shalt  }
0x5a: {  	_ =	shalt  }
0x5b: {  	_ =	shalt  }
0x5c: {  	_ =	shalt  }
0x5d: {  	_ =	shalt  }
0x5e: {  	_ =	shalt  }
0x5f: {  	_ =	shalt  }
0x60: {  	_ =	shalt  }
0x61: {  	_ =	shalt  }
0x62: {  	_ =	shalt  }
0x63: {  	_ =	shalt  }
0x64: {  	_ =	shalt  }
0x65: {  	_ =	shalt  }
0x66: {  	_ =	shalt  }
0x67: {  	_ =	shalt  }
0x68: {  	_ =	shalt  }
0x69: {  	_ =	shalt  }
0x6a: {  	_ =	shalt  }
0x6b: {  	_ =	shalt  }
0x6c: {  	_ =	shalt  }
0x6d: {  	_ =	shalt  }
0x6e: {  	_ =	shalt  }
0x6f: {  	_ =	shalt  }
0x70: {  	_ =	shalt  }
0x71: {  	_ =	shalt  }
0x72: {  	_ =	shalt  }
0x73: {  	_ =	shalt  }
0x74: {  	_ =	shalt  }
0x75: {  	_ =	shalt  }
0x76: {  	_ =	shalt  }
0x77: {  	_ =	shalt  }
0x78: {  	_ =	shalt  }
0x79: {  	_ =	shalt  }
0x7a: {  	_ =	shalt  }
0x7b: {  	_ =	shalt  }
0x7c: {  	_ =	shalt  }
0x7d: {  	_ =	shalt  }
0x7e: {  	_ =	shalt  }
0x7f: {  	_ =	shalt  }
0x80: {  	_ =	shalt  }
0x81: {  	_ =	shalt  }
0x82: {  	_ =	shalt  }
0x83: {  	_ =	shalt  }
0x84: {  	_ =	shalt  }
0x85: {  	_ =	shalt  }
0x86: {  	_ =	shalt  }
0x87: {  	_ =	shalt  }
.Lfunc_end0:
.L_simem_size_0:
called_computation_lowered:
.L_overlay_start_0:
0x88: {  	s2 =	sld [smem:$0x3FD9]  }
0x89: {  	s3 =	sld [smem:$0x3FFE];
	_ =	sdelay $0x1  }
0x8a: {  	s1 =	srdreg.scid  }
0x8b: {  	s0 =	sand.u32 $0x1, s1  }
0x8c: {  	s17 =	sshll.u32 s0, $0xA;
	s2 =	sadd.s32 s3, s2  }
0x8d: {  	s2 =	sadd.s32 s2, s17  }
0x8e: {  	[smem:$0x3FC6] =	sst s2  }
0x8f: {  	_ = 	snop  }
0x90: {  	s2 =	sld [smem:$0x3FC8]  }
0x91: {  	s18 =	sld [smem:$0x3FD0];
	(tm) =	ssettm $0x1  }
0x92: {  	s4 =	sld [smem:$0x3FFB];
	_ =	sdelay $0x3  }
0x93: {  	_ =	strace s4  }
0x94: {  	s4 =	sld [smem:$0x3FFC];
	_ =	sdelay $0x3  }
0x95: {  	_ =	strace s4  }
0x96: {  	s4 =	sld [smem:$0x3FFD];
	_ =	sdelay $0x3  }
0x97: {  	_ =	strace s4  }
0x98: {  	_ =	strace $0x8FFFFFFF  }
0x99: {  	s19 =	sld [smem:$0x3FDB];
	_ =	sdelay $0x1  }
0x9a: {  	s5 =	simm.s32 $_scs_section_size  }
0x9b: {  	s6 =	simm.s32 $_size__tile_overlayer_lowered;
	s7 =	simm.s32 $_tile_overlayer_lowered  }
0x9c: {  	s22 =	simm.s32 $0x1BFF;
	s21 =	sshll.u32 s7, $0x1;
	s4 =	sadd.s32 s5, s19  }
0x9d: {  	s8 =	simm.s32 $0x0;
	s20 =	sshll.u32 s6, $0x1;
	s6 =	sadd.s32 s21, s4  }
0x9e: {  	[timem:s8], [sflag:s22] =	dma.local [hbm:s6], s20  }
0x9f: {  	_ =	swait.ge [sflag:s22], s20  }
0xa0: {  	s5 =	ssub.s32 $0x0, s20;
	[sflag:s22] =	ssyncset.done $0x0  }
0xa1: {  	[sflag:s22] =	ssyncadd.s32 s5;
	_ =	sdelay $0x1  }
0xa2: {  	s23 =	simm.s32 $0x1B8B  }
0xa3: {  	_ =	swait.ge [sflag:s23], $0x1  }
0xa4: {  	[sflag:s23] =	ssyncset.done $0x0  }
0xa5: {  	s25 =	simm.s32 $0x1B8E;
	s24 =	sld [smem:$0x3FFE];
	[sflag:s23] =	ssyncadd.s32 $0xFFFFFFFF  }
0xa6: {  	s26 =	simm.s32 $execute0_lowered;
	[smem:$0x3FD2] =	sst s25  }
0xa7: {  	s6 =	sshll.u32 s26, $0x1;
	_ =	strace $0x80000046;
	[dreg:$0x1] =	wrdreg $0xFFFFFFFF  }
0xa8: {  	s28 =	simm.s32 $_size_execute0_lowered;
	s4 =	sadd.s32 s4, s6;
	[dreg:$0x0] =	wrdreg $0x0  }
0xa9: {  	s6 =	sshll.u32 s28, $0x1;
	[dreg:$0x2] =	wrdreg s4  }
0xaa: {  	[dreg:$0x3] =	wrdreg s6  }
0xab: {  	[dreg:$0x4] =	wrdreg $0xC0  }
0xac: {  	_ =	task [dreg:s8], $0x5FFFF  }
0xad: {  	[dreg:$0x1] =	wrdreg $0xFFFFFFFF  }
0xae: {  	[dreg:$0x0] =	wrdreg $0x60  }
0xaf: {  	[dreg:$0x2] =	wrdreg s24  }
0xb0: {  	[dreg:$0x3] =	wrdreg s2  }
0xb1: {  	[dreg:$0x4] =	wrdreg s18  }
0xb2: {  	[dreg:$0x5] =	wrdreg $0x9  }
0xb3: {  	_ =	task.clear_ibuf [dreg:s8], $0x6FFFF;
	_ =	strace $0x90000046  }
0xb4: {  	s29 =	simm.s32 $0x9;
	_ =	strace $0x80000048  }
0xb5: {  	_ =	swait.ge [sflag:s29], $0x1  }
0xb6: {  	[sflag:s29] =	ssyncadd.s32 $0xFFFFFFFF  }
0xb7: {  	_ =	strace $0x90000048  }
0xb8: {  	_ =	sfence  }
0xb9: {  	s30 =	sld [smem:$0x0];
	_ =	sdelay $0x2  }
0xba: {  	s31 =	sshll.u32 s1, $0xD;
	s1 =	sshrl.u32 s1, $0x2  }
0xbb: {  	s3 =	sand.u32 $0x4000, s31;
	s1 =	sadd.s32 s1, s30  }
0xbc: {  	s0 =	sor.u32 s3, s0;
	s1 =	sshll.u32 s1, $0x11  }
0xbd: {  	s0 =	sor.u32 s1, s0  }
0xbe: {  	s0 =	sadd.s32 $0x8F2B, s0  }
0xbf: {  	[sflag:s0] =	ssyncadd.remote.s32 $0x1  }
0xc0: {  	_ =	sfence.sel $0xFFFF  }
0xc1: {  	[dreg:$0x0] =	wrdreg $0xFFFFFFFF;
	(pc) =	sbr.abs _section_cstart, $3  }
0xc2: {  	[dreg:$0x1] =	wrdreg $0xFFFFFFFF  }
0xc3: {  	_ =	task.clear_ibuf [dreg:s8], $0x2FFFF;
	_ =	strace $0x9FFFFFFF  }
0xc4: {  	(tm) =	ssettm $0x7FFFFFFF  }
0xc5: {  	_ =	shalt  }
tec
execute0_lowered:
.L_overlay_start_1:
0x0: {  	(tag) =	ssettag $0x1  }
0x1: {  	s0 =	srdreg.scid;
	s2 =	stileid.u32  }
0x2: {  	s0 =	sand.u32 $0x1, s0;
	s2 =	sshll.u32 s2, $0x1  }
0x3: {  	s4 =	sor.u32 s0, s2  }
0x4: {  	s1 =	rddreg [dreg:$0x0];
	s6 =	smul.u32 $0x320, s4  }
0x5: {  	s3 =	rddreg [dreg:$0x1];
	s7 =	smul.u32 $0xC8000, s4  }
0x6: {  	s5 =	rddreg [dreg:$0x2];
	s2 =	simm.s32 $0x0;
	s4 =	smul.u32 $0x19000, s4  }
0x7: {  	[smem:$0x7FF] =	sst s2  }
0x8: {  	_ =	strace $0x80000047;
	s1 =	sadd.s32 s6, s1;
	s25 =	sadd.s32 s5, s4  }
0x9: {  	s24 =	sshrl.u32 s7, $0x3;
	s1 =	sadd.s32 $0x400, s1;
	[dreg:$0x5] =	wrdreg s25  }
0xa: {  	s26 =	sadd.s32 s5, s24;
	s25 =	simm.s32 $0x280;
	[dreg:$0x4] =	wrdreg s1  }
0xb: {  	s5 =	sadd.s32 $0x1400, s26;
	[dreg:$0x19] =	wrdreg s25  }
0xc: {  	s6 =	sadd.s32 $0x2800, s26;
	[dreg:$0x6] =	wrdreg s5  }
0xd: {  	s7 =	sadd.s32 $0x3C00, s26;
	[dreg:$0x7] =	wrdreg s6  }
0xe: {  	s8 =	sadd.s32 $0x5000, s26;
	[dreg:$0x8] =	wrdreg s7  }
0xf: {  	s31 =	simm.s32 $0x7;
	s9 =	sadd.s32 $0x6400, s26;
	[dreg:$0x9] =	wrdreg s8  }
0x10: {  	s30 =	simm.s32 $0x500;
	s10 =	sadd.s32 $0x7800, s26;
	[dreg:$0xa] =	wrdreg s9  }
0x11: {  	s29 =	simm.s32 $0x640;
	s11 =	sadd.s32 $0x8C00, s26;
	[dreg:$0xb] =	wrdreg s10  }
0x12: {  	s28 =	simm.s32 $0x780;
	s12 =	sadd.s32 $0xA000, s26;
	[dreg:$0xc] =	wrdreg s11  }
0x13: {  	p0 =	por $0x0, $0x0;
	s13 =	sadd.s32 $0xB400, s26;
	[dreg:$0xd] =	wrdreg s12  }
0x14: {  	s0 =	ssub.s32 $0x2, s0;
	s14 =	sadd.s32 $0xC800, s26;
	[dreg:$0xe] =	wrdreg s13  }
0x15: {  	s23 =	sshrl.u32 s0, $0x1;
	s15 =	sadd.s32 $0xDC00, s26;
	[dreg:$0xf] =	wrdreg s14  }
0x16: {  	s0 =	ssub.s32 s0, s23;
	s16 =	sadd.s32 $0xF000, s26;
	[dreg:$0x10] =	wrdreg s15  }
0x17: {  	s23 =	simm.s32 $0xC80;
	s17 =	sadd.s32 $0x10400, s26;
	[dreg:$0x11] =	wrdreg s16  }
0x18: {  	s0 =	smax.u32 s0, $0x1;
	s18 =	sadd.s32 $0x11800, s26;
	[dreg:$0x12] =	wrdreg s17  }
0x19: {  	s4 =	simm.s32 $0xB900;
	s19 =	sadd.s32 $0x12C00, s26;
	[dreg:$0x13] =	wrdreg s18  }
0x1a: {  	p1 =	sne.s32 s0, $0x1;
	s20 =	sadd.s32 $0x14000, s26;
	[dreg:$0x14] =	wrdreg s19  }
0x1b: {  	s21 =	sadd.s32 $0x15400, s26;
	s22 =	sadd.s32 $0x16800, s26;
	[dreg:$0x15] =	wrdreg s20  }
0x1c: {  	s24 =	sadd.s32 $0x17C00, s26;
	s26 =	simm.s32 $0x3C0;
	[dreg:$0x16] =	wrdreg s21  }
0x1d: {  	s25 =	simm.s32 $0xA00;
	s1 =	sadd.s32 $0xFFFFFFFF, s0;
	[dreg:$0x17] =	wrdreg s22  }
0x1e: {  	[dreg:$0x18] =	wrdreg s24;
	s11 =	simm.s32 $0x140;
	s8 =	simm.s32 $0x1900  }
0x1f: {  	s12 =	simm.s32 $0x15900;
	s10 =	simm.s32 $0x1;
	s5 =	simm.s32 $0x4  }
0x20: {  	[dreg:$0x1a] =	wrdreg s26;
	s9 =	simm.s32 $0x2;
	s6 =	simm.s32 $0x5  }
.Ltmp0:
0x21: {  	s13 =	simm.s32 $0x3;
	s7 =	simm.s32 $0x6;
	(pc) =	sbr.rel @!p1 .LBB2_3-.Ltmp0, $4  }
0x22: {  	s26 =	simm.s32 $0x8C0;
	s24 =	simm.s32 $0xB40;
	s22 =	simm.s32 $0xDC0  }
0x23: {  	s21 =	simm.s32 $0xF00;
	s20 =	simm.s32 $0x1040;
	s19 =	simm.s32 $0x1180  }
0x24: {  	s18 =	simm.s32 $0x12C0;
	s17 =	simm.s32 $0x1400;
	s16 =	simm.s32 $0x1540  }
0x25: {  	s15 =	simm.s32 $0x1680;
	s14 =	simm.s32 $0x17C0;
	s0 =	rddreg [dreg:$0x4]  }
0x26: {  	[tilespmem:s2], [sflag:$0x7] =	stream.linear.gather [hbm4b:s0+s2], $0x1900, $0x38;
	[tilespmem:$0x1F900] =	vst v63  }
0x27: {  	_ =	swait.ge [sflag:s31], $0x1900  }
0x28: {  	[sflag:s31] =	ssyncset.done $0x0  }
0x29: {  	[sflag:s31] =	ssyncadd.s32 $0xFFFFE700  }
0x2a: {  	[tilespmem:s8], [sflag:$0x1] =	stream.indirect.gather [hbm4b:s3+s11], $0x80, s2, s11, $0xb8;
	[tilespmem:$0x1F900] =	vst v63  }
0x2b: {  	_ = 	snop  }
0x2c: {  	[tilespmem:s4], [sflag:$0x2] =	stream.indirect.gather [hbm4b:s3+s11], $0x80, s11, s11, $0xb8;
	[tilespmem:$0x1F900] =	vst v63  }
0x2d: {  	s0 =	rddreg [dreg:$0x19]  }
0x2e: {  	[tilespmem:s12], [sflag:$0x3] =	stream.indirect.gather [hbm4b:s3+s11], $0x80, s0, s11, $0xb8;
	[tilespmem:$0x1F900] =	vst v63  }
0x2f: {  	_ =	swait.ge [sflag:s10], $0xA000  }
0x30: {  	[sflag:s10] =	ssyncset.done $0x0  }
0x31: {  	s0 =	rddreg [dreg:$0x5];
	[sflag:s10] =	ssyncadd.s32 $0xFFFF6000  }
0x32: {  	[hbm4b:s0+s2] =	stream.linear.scatter [tilespmem:s8], [sflag:$0x4], $0xA000, $0x38;
	[tilespmem:$0x1F900] =	vst v63  }
0x33: {  	_ =	swait.ge [sflag:s5], $0xA000  }
0x34: {  	[sflag:s5] =	ssyncset.done $0x0  }
0x35: {  	s0 =	rddreg [dreg:$0x1a];
	[sflag:s5] =	ssyncadd.s32 $0xFFFF6000  }
0x36: {  	[tilespmem:s8], [sflag:$0x1] =	stream.indirect.gather [hbm4b:s3+s11], $0x80, s0, s11, $0xb8;
	[tilespmem:$0x1F900] =	vst v63  }
0x37: {  	_ =	swait.ge [sflag:s9], $0xA000  }
0x38: {  	[sflag:s9] =	ssyncset.done $0x0  }
0x39: {  	s0 =	rddreg [dreg:$0x6];
	[sflag:s9] =	ssyncadd.s32 $0xFFFF6000  }
0x3a: {  	[hbm4b:s0+s2] =	stream.linear.scatter [tilespmem:s4], [sflag:$0x5], $0xA000, $0x38;
	[tilespmem:$0x1F900] =	vst v63  }
0x3b: {  	_ =	swait.ge [sflag:s6], $0xA000  }
0x3c: {  	[sflag:s6] =	ssyncset.done $0x0  }
0x3d: {  	[sflag:s6] =	ssyncadd.s32 $0xFFFF6000  }
0x3e: {  	[tilespmem:s4], [sflag:$0x2] =	stream.indirect.gather [hbm4b:s3+s11], $0x80, s30, s11, $0xb8;
	[tilespmem:$0x1F900] =	vst v63  }
0x3f: {  	_ =	swait.ge [sflag:s13], $0xA000  }
0x40: {  	[sflag:s13] =	ssyncset.done $0x0  }
0x41: {  	s0 =	rddreg [dreg:$0x7];
	[sflag:s13] =	ssyncadd.s32 $0xFFFF6000  }
0x42: {  	[hbm4b:s0+s2] =	stream.linear.scatter [tilespmem:s12], [sflag:$0x6], $0xA000, $0x38;
	[tilespmem:$0x1F900] =	vst v63  }
0x43: {  	_ =	swait.ge [sflag:s7], $0xA000  }
0x44: {  	[sflag:s7] =	ssyncset.done $0x0  }
0x45: {  	[sflag:s7] =	ssyncadd.s32 $0xFFFF6000  }
0x46: {  	[tilespmem:s12], [sflag:$0x3] =	stream.indirect.gather [hbm4b:s3+s11], $0x80, s29, s11, $0xb8;
	[tilespmem:$0x1F900] =	vst v63  }
0x47: {  	_ =	swait.ge [sflag:s10], $0xA000  }
0x48: {  	[sflag:s10] =	ssyncset.done $0x0  }
0x49: {  	s0 =	rddreg [dreg:$0x8];
	[sflag:s10] =	ssyncadd.s32 $0xFFFF6000  }
0x4a: {  	[hbm4b:s0+s2] =	stream.linear.scatter [tilespmem:s8], [sflag:$0x4], $0xA000, $0x38;
	[tilespmem:$0x1F900] =	vst v63  }
0x4b: {  	_ =	swait.ge [sflag:s5], $0xA000  }
0x4c: {  	[sflag:s5] =	ssyncset.done $0x0  }
0x4d: {  	[sflag:s5] =	ssyncadd.s32 $0xFFFF6000  }
0x4e: {  	[tilespmem:s8], [sflag:$0x1] =	stream.indirect.gather [hbm4b:s3+s11], $0x80, s28, s11, $0xb8;
	[tilespmem:$0x1F900] =	vst v63  }
0x4f: {  	_ =	swait.ge [sflag:s9], $0xA000  }
0x50: {  	[sflag:s9] =	ssyncset.done $0x0  }
0x51: {  	s0 =	rddreg [dreg:$0x9];
	[sflag:s9] =	ssyncadd.s32 $0xFFFF6000  }
0x52: {  	[hbm4b:s0+s2] =	stream.linear.scatter [tilespmem:s4], [sflag:$0x5], $0xA000, $0x38;
	[tilespmem:$0x1F900] =	vst v63  }
0x53: {  	_ =	swait.ge [sflag:s6], $0xA000  }
0x54: {  	[sflag:s6] =	ssyncset.done $0x0  }
0x55: {  	[sflag:s6] =	ssyncadd.s32 $0xFFFF6000  }
0x56: {  	[tilespmem:s4], [sflag:$0x2] =	stream.indirect.gather [hbm4b:s3+s11], $0x80, s26, s11, $0xb8;
	[tilespmem:$0x1F900] =	vst v63  }
0x57: {  	_ =	swait.ge [sflag:s13], $0xA000  }
0x58: {  	[sflag:s13] =	ssyncset.done $0x0  }
0x59: {  	s0 =	rddreg [dreg:$0xa];
	[sflag:s13] =	ssyncadd.s32 $0xFFFF6000  }
0x5a: {  	[hbm4b:s0+s2] =	stream.linear.scatter [tilespmem:s12], [sflag:$0x6], $0xA000, $0x38;
	[tilespmem:$0x1F900] =	vst v63  }
0x5b: {  	_ =	swait.ge [sflag:s7], $0xA000  }
0x5c: {  	[sflag:s7] =	ssyncset.done $0x0  }
0x5d: {  	[sflag:s7] =	ssyncadd.s32 $0xFFFF6000  }
0x5e: {  	[tilespmem:s12], [sflag:$0x3] =	stream.indirect.gather [hbm4b:s3+s11], $0x80, s25, s11, $0xb8;
	[tilespmem:$0x1F900] =	vst v63  }
0x5f: {  	_ =	swait.ge [sflag:s10], $0xA000  }
0x60: {  	[sflag:s10] =	ssyncset.done $0x0  }
0x61: {  	s0 =	rddreg [dreg:$0xb];
	[sflag:s10] =	ssyncadd.s32 $0xFFFF6000  }
0x62: {  	[hbm4b:s0+s2] =	stream.linear.scatter [tilespmem:s8], [sflag:$0x4], $0xA000, $0x38;
	[tilespmem:$0x1F900] =	vst v63  }
0x63: {  	_ =	swait.ge [sflag:s5], $0xA000  }
0x64: {  	[sflag:s5] =	ssyncset.done $0x0  }
0x65: {  	[sflag:s5] =	ssyncadd.s32 $0xFFFF6000  }
0x66: {  	[tilespmem:s8], [sflag:$0x1] =	stream.indirect.gather [hbm4b:s3+s11], $0x80, s24, s11, $0xb8;
	[tilespmem:$0x1F900] =	vst v63  }
0x67: {  	_ =	swait.ge [sflag:s9], $0xA000  }
0x68: {  	[sflag:s9] =	ssyncset.done $0x0  }
0x69: {  	s0 =	rddreg [dreg:$0xc];
	[sflag:s9] =	ssyncadd.s32 $0xFFFF6000  }
0x6a: {  	[hbm4b:s0+s2] =	stream.linear.scatter [tilespmem:s4], [sflag:$0x5], $0xA000, $0x38;
	[tilespmem:$0x1F900] =	vst v63  }
0x6b: {  	_ =	swait.ge [sflag:s6], $0xA000  }
0x6c: {  	[sflag:s6] =	ssyncset.done $0x0  }
0x6d: {  	[sflag:s6] =	ssyncadd.s32 $0xFFFF6000  }
0x6e: {  	[tilespmem:s4], [sflag:$0x2] =	stream.indirect.gather [hbm4b:s3+s11], $0x80, s23, s11, $0xb8;
	[tilespmem:$0x1F900] =	vst v63  }
0x6f: {  	_ =	swait.ge [sflag:s13], $0xA000  }
0x70: {  	[sflag:s13] =	ssyncset.done $0x0  }
0x71: {  	s0 =	rddreg [dreg:$0xd];
	[sflag:s13] =	ssyncadd.s32 $0xFFFF6000  }
0x72: {  	[hbm4b:s0+s2] =	stream.linear.scatter [tilespmem:s12], [sflag:$0x6], $0xA000, $0x38;
	[tilespmem:$0x1F900] =	vst v63  }
0x73: {  	_ =	swait.ge [sflag:s7], $0xA000  }
0x74: {  	[sflag:s7] =	ssyncset.done $0x0  }
0x75: {  	[sflag:s7] =	ssyncadd.s32 $0xFFFF6000  }
0x76: {  	[tilespmem:s12], [sflag:$0x3] =	stream.indirect.gather [hbm4b:s3+s11], $0x80, s22, s11, $0xb8;
	[tilespmem:$0x1F900] =	vst v63  }
0x77: {  	_ =	swait.ge [sflag:s10], $0xA000  }
0x78: {  	[sflag:s10] =	ssyncset.done $0x0  }
0x79: {  	s0 =	rddreg [dreg:$0xe];
	[sflag:s10] =	ssyncadd.s32 $0xFFFF6000  }
0x7a: {  	[hbm4b:s0+s2] =	stream.linear.scatter [tilespmem:s8], [sflag:$0x4], $0xA000, $0x38;
	[tilespmem:$0x1F900] =	vst v63  }
0x7b: {  	_ =	swait.ge [sflag:s5], $0xA000  }
0x7c: {  	[sflag:s5] =	ssyncset.done $0x0  }
0x7d: {  	[sflag:s5] =	ssyncadd.s32 $0xFFFF6000  }
0x7e: {  	[tilespmem:s8], [sflag:$0x1] =	stream.indirect.gather [hbm4b:s3+s11], $0x80, s21, s11, $0xb8;
	[tilespmem:$0x1F900] =	vst v63  }
0x7f: {  	_ =	swait.ge [sflag:s9], $0xA000  }
0x80: {  	[sflag:s9] =	ssyncset.done $0x0  }
0x81: {  	s0 =	rddreg [dreg:$0xf];
	[sflag:s9] =	ssyncadd.s32 $0xFFFF6000  }
0x82: {  	[hbm4b:s0+s2] =	stream.linear.scatter [tilespmem:s4], [sflag:$0x5], $0xA000, $0x38;
	[tilespmem:$0x1F900] =	vst v63  }
0x83: {  	_ =	swait.ge [sflag:s6], $0xA000  }
0x84: {  	[sflag:s6] =	ssyncset.done $0x0  }
0x85: {  	[sflag:s6] =	ssyncadd.s32 $0xFFFF6000  }
0x86: {  	[tilespmem:s4], [sflag:$0x2] =	stream.indirect.gather [hbm4b:s3+s11], $0x80, s20, s11, $0xb8;
	[tilespmem:$0x1F900] =	vst v63  }
0x87: {  	_ =	swait.ge [sflag:s13], $0xA000  }
0x88: {  	[sflag:s13] =	ssyncset.done $0x0  }
0x89: {  	s0 =	rddreg [dreg:$0x10];
	[sflag:s13] =	ssyncadd.s32 $0xFFFF6000  }
0x8a: {  	[hbm4b:s0+s2] =	stream.linear.scatter [tilespmem:s12], [sflag:$0x6], $0xA000, $0x38;
	[tilespmem:$0x1F900] =	vst v63  }
0x8b: {  	_ =	swait.ge [sflag:s7], $0xA000  }
0x8c: {  	[sflag:s7] =	ssyncset.done $0x0  }
0x8d: {  	[sflag:s7] =	ssyncadd.s32 $0xFFFF6000  }
0x8e: {  	[tilespmem:s12], [sflag:$0x3] =	stream.indirect.gather [hbm4b:s3+s11], $0x80, s19, s11, $0xb8;
	[tilespmem:$0x1F900] =	vst v63  }
0x8f: {  	_ =	swait.ge [sflag:s10], $0xA000  }
0x90: {  	[sflag:s10] =	ssyncset.done $0x0  }
0x91: {  	s0 =	rddreg [dreg:$0x11];
	[sflag:s10] =	ssyncadd.s32 $0xFFFF6000  }
0x92: {  	[hbm4b:s0+s2] =	stream.linear.scatter [tilespmem:s8], [sflag:$0x4], $0xA000, $0x38;
	[tilespmem:$0x1F900] =	vst v63  }
0x93: {  	_ =	swait.ge [sflag:s5], $0xA000  }
0x94: {  	[sflag:s5] =	ssyncset.done $0x0  }
0x95: {  	[sflag:s5] =	ssyncadd.s32 $0xFFFF6000  }
0x96: {  	[tilespmem:s8], [sflag:$0x1] =	stream.indirect.gather [hbm4b:s3+s11], $0x80, s18, s11, $0xb8;
	[tilespmem:$0x1F900] =	vst v63  }
0x97: {  	_ =	swait.ge [sflag:s9], $0xA000  }
0x98: {  	[sflag:s9] =	ssyncset.done $0x0  }
0x99: {  	s0 =	rddreg [dreg:$0x12];
	[sflag:s9] =	ssyncadd.s32 $0xFFFF6000  }
0x9a: {  	[hbm4b:s0+s2] =	stream.linear.scatter [tilespmem:s4], [sflag:$0x5], $0xA000, $0x38;
	[tilespmem:$0x1F900] =	vst v63  }
0x9b: {  	_ =	swait.ge [sflag:s6], $0xA000  }
0x9c: {  	[sflag:s6] =	ssyncset.done $0x0  }
0x9d: {  	[sflag:s6] =	ssyncadd.s32 $0xFFFF6000  }
0x9e: {  	[tilespmem:s4], [sflag:$0x2] =	stream.indirect.gather [hbm4b:s3+s11], $0x80, s17, s11, $0xb8;
	[tilespmem:$0x1F900] =	vst v63  }
0x9f: {  	_ =	swait.ge [sflag:s13], $0xA000  }
0xa0: {  	[sflag:s13] =	ssyncset.done $0x0  }
0xa1: {  	s0 =	rddreg [dreg:$0x13];
	[sflag:s13] =	ssyncadd.s32 $0xFFFF6000  }
0xa2: {  	[hbm4b:s0+s2] =	stream.linear.scatter [tilespmem:s12], [sflag:$0x6], $0xA000, $0x38;
	[tilespmem:$0x1F900] =	vst v63  }
0xa3: {  	_ =	swait.ge [sflag:s7], $0xA000  }
0xa4: {  	[sflag:s7] =	ssyncset.done $0x0  }
0xa5: {  	[sflag:s7] =	ssyncadd.s32 $0xFFFF6000  }
0xa6: {  	[tilespmem:s12], [sflag:$0x3] =	stream.indirect.gather [hbm4b:s3+s11], $0x80, s16, s11, $0xb8;
	[tilespmem:$0x1F900] =	vst v63  }
0xa7: {  	_ =	swait.ge [sflag:s10], $0xA000  }
0xa8: {  	[sflag:s10] =	ssyncset.done $0x0  }
0xa9: {  	s0 =	rddreg [dreg:$0x14];
	[sflag:s10] =	ssyncadd.s32 $0xFFFF6000  }
0xaa: {  	[hbm4b:s0+s2] =	stream.linear.scatter [tilespmem:s8], [sflag:$0x4], $0xA000, $0x38;
	[tilespmem:$0x1F900] =	vst v63  }
0xab: {  	_ =	swait.ge [sflag:s5], $0xA000  }
0xac: {  	[sflag:s5] =	ssyncset.done $0x0  }
0xad: {  	[sflag:s5] =	ssyncadd.s32 $0xFFFF6000  }
0xae: {  	[tilespmem:s8], [sflag:$0x1] =	stream.indirect.gather [hbm4b:s3+s11], $0x80, s15, s11, $0xb8;
	[tilespmem:$0x1F900] =	vst v63  }
0xaf: {  	_ =	swait.ge [sflag:s9], $0xA000  }
0xb0: {  	[sflag:s9] =	ssyncset.done $0x0  }
0xb1: {  	s0 =	rddreg [dreg:$0x15];
	[sflag:s9] =	ssyncadd.s32 $0xFFFF6000  }
0xb2: {  	[hbm4b:s0+s2] =	stream.linear.scatter [tilespmem:s4], [sflag:$0x5], $0xA000, $0x38;
	[tilespmem:$0x1F900] =	vst v63  }
0xb3: {  	_ =	swait.ge [sflag:s6], $0xA000  }
0xb4: {  	[sflag:s6] =	ssyncset.done $0x0  }
0xb5: {  	[sflag:s6] =	ssyncadd.s32 $0xFFFF6000  }
0xb6: {  	[tilespmem:s4], [sflag:$0x2] =	stream.indirect.gather [hbm4b:s3+s11], $0x80, s14, s11, $0xb8;
	[tilespmem:$0x1F900] =	vst v63  }
0xb7: {  	_ =	swait.ge [sflag:s13], $0xA000  }
0xb8: {  	[sflag:s13] =	ssyncset.done $0x0  }
0xb9: {  	s0 =	rddreg [dreg:$0x16];
	[sflag:s13] =	ssyncadd.s32 $0xFFFF6000  }
0xba: {  	[hbm4b:s0+s2] =	stream.linear.scatter [tilespmem:s12], [sflag:$0x6], $0xA000, $0x38;
	[tilespmem:$0x1F900] =	vst v63  }
0xbb: {  	_ =	swait.ge [sflag:s10], $0xA000  }
0xbc: {  	[sflag:s10] =	ssyncset.done $0x0  }
0xbd: {  	s0 =	rddreg [dreg:$0x17];
	[sflag:s10] =	ssyncadd.s32 $0xFFFF6000  }
0xbe: {  	[hbm4b:s0+s2] =	stream.linear.scatter [tilespmem:s8], [sflag:$0x4], $0xA000, $0x38;
	[tilespmem:$0x1F900] =	vst v63  }
0xbf: {  	_ =	swait.ge [sflag:s9], $0xA000  }
0xc0: {  	[sflag:s9] =	ssyncset.done $0x0  }
0xc1: {  	s0 =	rddreg [dreg:$0x18];
	[sflag:s9] =	ssyncadd.s32 $0xFFFF6000  }
0xc2: {  	[hbm4b:s0+s2] =	stream.linear.scatter [tilespmem:s4], [sflag:$0x5], $0xA000, $0x38;
	[tilespmem:$0x1F900] =	vst v63  }
0xc3: {  	_ =	swait.ge [sflag:s5], $0xA000  }
0xc4: {  	[sflag:s5] =	ssyncset.done $0x0  }
0xc5: {  	p1 =	sne.s32 s1, $0x1;
	[sflag:s5] =	ssyncadd.s32 $0xFFFF6000  }
.Ltmp1:
0xc6: {  	_ =	swait.ge [sflag:s6], $0xA000;
	(pc) =	sbr.rel @!p1 .LBB2_3-.Ltmp1, $4  }
0xc7: {  	[sflag:s6] =	ssyncset.done $0x0  }
0xc8: {  	[sflag:s6] =	ssyncadd.s32 $0xFFFF6000  }
0xc9: {  	s1 =	sadd.s32 $0xFFFFFFFF, s1;
	_ =	swait.ge [sflag:s7], $0xA000  }
0xca: {  	p0 =	por $0x1, $0x1;
	s0 =	rddreg [dreg:$0x4];
	[sflag:s7] =	ssyncset.done $0x0  }
.LBB2_2:
0xcb: {  	[sflag:s7] =	ssyncadd.s32 $0xFFFF6000  }
0xcc: {  	[tilespmem:s2], [sflag:$0x7] =	stream.linear.gather [hbm4b:s0+s2], $0x1900, $0x38;
	[tilespmem:$0x1F900] =	vst v63  }
0xcd: {  	_ =	swait.ge [sflag:s31], $0x1900  }
0xce: {  	[sflag:s31] =	ssyncset.done $0x0  }
0xcf: {  	[sflag:s31] =	ssyncadd.s32 $0xFFFFE700  }
0xd0: {  	[tilespmem:s8], [sflag:$0x1] =	stream.indirect.gather [hbm4b:s3+s11], $0x80, s2, s11, $0xb8;
	[tilespmem:$0x1F900] =	vst v63  }
0xd1: {  	_ = 	snop  }
0xd2: {  	[tilespmem:s4], [sflag:$0x2] =	stream.indirect.gather [hbm4b:s3+s11], $0x80, s11, s11, $0xb8;
	[tilespmem:$0x1F900] =	vst v63  }
0xd3: {  	s0 =	rddreg [dreg:$0x19]  }
0xd4: {  	[tilespmem:s12], [sflag:$0x3] =	stream.indirect.gather [hbm4b:s3+s11], $0x80, s0, s11, $0xb8;
	[tilespmem:$0x1F900] =	vst v63  }
0xd5: {  	_ =	swait.ge [sflag:s10], $0xA000  }
0xd6: {  	[sflag:s10] =	ssyncset.done $0x0  }
0xd7: {  	s0 =	rddreg [dreg:$0x5];
	[sflag:s10] =	ssyncadd.s32 $0xFFFF6000  }
0xd8: {  	[hbm4b:s0+s2] =	stream.linear.scatter [tilespmem:s8], [sflag:$0x4], $0xA000, $0x38;
	[tilespmem:$0x1F900] =	vst v63  }
0xd9: {  	_ =	swait.ge [sflag:s5], $0xA000  }
0xda: {  	[sflag:s5] =	ssyncset.done $0x0  }
0xdb: {  	s0 =	rddreg [dreg:$0x1a];
	[sflag:s5] =	ssyncadd.s32 $0xFFFF6000  }
0xdc: {  	[tilespmem:s8], [sflag:$0x1] =	stream.indirect.gather [hbm4b:s3+s11], $0x80, s0, s11, $0xb8;
	[tilespmem:$0x1F900] =	vst v63  }
0xdd: {  	_ =	swait.ge [sflag:s9], $0xA000  }
0xde: {  	[sflag:s9] =	ssyncset.done $0x0  }
0xdf: {  	s0 =	rddreg [dreg:$0x6];
	[sflag:s9] =	ssyncadd.s32 $0xFFFF6000  }
0xe0: {  	[hbm4b:s0+s2] =	stream.linear.scatter [tilespmem:s4], [sflag:$0x5], $0xA000, $0x38;
	[tilespmem:$0x1F900] =	vst v63  }
0xe1: {  	_ =	swait.ge [sflag:s6], $0xA000  }
0xe2: {  	[sflag:s6] =	ssyncset.done $0x0  }
0xe3: {  	[sflag:s6] =	ssyncadd.s32 $0xFFFF6000  }
0xe4: {  	[tilespmem:s4], [sflag:$0x2] =	stream.indirect.gather [hbm4b:s3+s11], $0x80, s30, s11, $0xb8;
	[tilespmem:$0x1F900] =	vst v63  }
0xe5: {  	_ =	swait.ge [sflag:s13], $0xA000  }
0xe6: {  	[sflag:s13] =	ssyncset.done $0x0  }
0xe7: {  	s0 =	rddreg [dreg:$0x7];
	[sflag:s13] =	ssyncadd.s32 $0xFFFF6000  }
0xe8: {  	[hbm4b:s0+s2] =	stream.linear.scatter [tilespmem:s12], [sflag:$0x6], $0xA000, $0x38;
	[tilespmem:$0x1F900] =	vst v63  }
0xe9: {  	_ =	swait.ge [sflag:s7], $0xA000  }
0xea: {  	[sflag:s7] =	ssyncset.done $0x0  }
0xeb: {  	[sflag:s7] =	ssyncadd.s32 $0xFFFF6000  }
0xec: {  	[tilespmem:s12], [sflag:$0x3] =	stream.indirect.gather [hbm4b:s3+s11], $0x80, s29, s11, $0xb8;
	[tilespmem:$0x1F900] =	vst v63  }
0xed: {  	_ =	swait.ge [sflag:s10], $0xA000  }
0xee: {  	[sflag:s10] =	ssyncset.done $0x0  }
0xef: {  	s0 =	rddreg [dreg:$0x8];
	[sflag:s10] =	ssyncadd.s32 $0xFFFF6000  }
0xf0: {  	[hbm4b:s0+s2] =	stream.linear.scatter [tilespmem:s8], [sflag:$0x4], $0xA000, $0x38;
	[tilespmem:$0x1F900] =	vst v63  }
0xf1: {  	_ =	swait.ge [sflag:s5], $0xA000  }
0xf2: {  	[sflag:s5] =	ssyncset.done $0x0  }
0xf3: {  	[sflag:s5] =	ssyncadd.s32 $0xFFFF6000  }
0xf4: {  	[tilespmem:s8], [sflag:$0x1] =	stream.indirect.gather [hbm4b:s3+s11], $0x80, s28, s11, $0xb8;
	[tilespmem:$0x1F900] =	vst v63  }
0xf5: {  	_ =	swait.ge [sflag:s9], $0xA000  }
0xf6: {  	[sflag:s9] =	ssyncset.done $0x0  }
0xf7: {  	s0 =	rddreg [dreg:$0x9];
	[sflag:s9] =	ssyncadd.s32 $0xFFFF6000  }
0xf8: {  	[hbm4b:s0+s2] =	stream.linear.scatter [tilespmem:s4], [sflag:$0x5], $0xA000, $0x38;
	[tilespmem:$0x1F900] =	vst v63  }
0xf9: {  	_ =	swait.ge [sflag:s6], $0xA000  }
0xfa: {  	[sflag:s6] =	ssyncset.done $0x0  }
0xfb: {  	[sflag:s6] =	ssyncadd.s32 $0xFFFF6000  }
0xfc: {  	[tilespmem:s4], [sflag:$0x2] =	stream.indirect.gather [hbm4b:s3+s11], $0x80, s26, s11, $0xb8;
	[tilespmem:$0x1F900] =	vst v63  }
0xfd: {  	_ =	swait.ge [sflag:s13], $0xA000  }
0xfe: {  	[sflag:s13] =	ssyncset.done $0x0  }
0xff: {  	s0 =	rddreg [dreg:$0xa];
	[sflag:s13] =	ssyncadd.s32 $0xFFFF6000  }
0x100: {  	[hbm4b:s0+s2] =	stream.linear.scatter [tilespmem:s12], [sflag:$0x6], $0xA000, $0x38;
	[tilespmem:$0x1F900] =	vst v63  }
0x101: {  	_ =	swait.ge [sflag:s7], $0xA000  }
0x102: {  	[sflag:s7] =	ssyncset.done $0x0  }
0x103: {  	[sflag:s7] =	ssyncadd.s32 $0xFFFF6000  }
0x104: {  	[tilespmem:s12], [sflag:$0x3] =	stream.indirect.gather [hbm4b:s3+s11], $0x80, s25, s11, $0xb8;
	[tilespmem:$0x1F900] =	vst v63  }
0x105: {  	_ =	swait.ge [sflag:s10], $0xA000  }
0x106: {  	[sflag:s10] =	ssyncset.done $0x0  }
0x107: {  	s0 =	rddreg [dreg:$0xb];
	[sflag:s10] =	ssyncadd.s32 $0xFFFF6000  }
0x108: {  	[hbm4b:s0+s2] =	stream.linear.scatter [tilespmem:s8], [sflag:$0x4], $0xA000, $0x38;
	[tilespmem:$0x1F900] =	vst v63  }
0x109: {  	_ =	swait.ge [sflag:s5], $0xA000  }
0x10a: {  	[sflag:s5] =	ssyncset.done $0x0  }
0x10b: {  	[sflag:s5] =	ssyncadd.s32 $0xFFFF6000  }
0x10c: {  	[tilespmem:s8], [sflag:$0x1] =	stream.indirect.gather [hbm4b:s3+s11], $0x80, s24, s11, $0xb8;
	[tilespmem:$0x1F900] =	vst v63  }
0x10d: {  	_ =	swait.ge [sflag:s9], $0xA000  }
0x10e: {  	[sflag:s9] =	ssyncset.done $0x0  }
0x10f: {  	s0 =	rddreg [dreg:$0xc];
	[sflag:s9] =	ssyncadd.s32 $0xFFFF6000  }
0x110: {  	[hbm4b:s0+s2] =	stream.linear.scatter [tilespmem:s4], [sflag:$0x5], $0xA000, $0x38;
	[tilespmem:$0x1F900] =	vst v63  }
0x111: {  	_ =	swait.ge [sflag:s6], $0xA000  }
0x112: {  	[sflag:s6] =	ssyncset.done $0x0  }
0x113: {  	[sflag:s6] =	ssyncadd.s32 $0xFFFF6000  }
0x114: {  	[tilespmem:s4], [sflag:$0x2] =	stream.indirect.gather [hbm4b:s3+s11], $0x80, s23, s11, $0xb8;
	[tilespmem:$0x1F900] =	vst v63  }
0x115: {  	_ =	swait.ge [sflag:s13], $0xA000  }
0x116: {  	[sflag:s13] =	ssyncset.done $0x0  }
0x117: {  	s0 =	rddreg [dreg:$0xd];
	[sflag:s13] =	ssyncadd.s32 $0xFFFF6000  }
0x118: {  	[hbm4b:s0+s2] =	stream.linear.scatter [tilespmem:s12], [sflag:$0x6], $0xA000, $0x38;
	[tilespmem:$0x1F900] =	vst v63  }
0x119: {  	_ =	swait.ge [sflag:s7], $0xA000  }
0x11a: {  	[sflag:s7] =	ssyncset.done $0x0  }
0x11b: {  	[sflag:s7] =	ssyncadd.s32 $0xFFFF6000  }
0x11c: {  	[tilespmem:s12], [sflag:$0x3] =	stream.indirect.gather [hbm4b:s3+s11], $0x80, s22, s11, $0xb8;
	[tilespmem:$0x1F900] =	vst v63  }
0x11d: {  	_ =	swait.ge [sflag:s10], $0xA000  }
0x11e: {  	[sflag:s10] =	ssyncset.done $0x0  }
0x11f: {  	s0 =	rddreg [dreg:$0xe];
	[sflag:s10] =	ssyncadd.s32 $0xFFFF6000  }
0x120: {  	[hbm4b:s0+s2] =	stream.linear.scatter [tilespmem:s8], [sflag:$0x4], $0xA000, $0x38;
	[tilespmem:$0x1F900] =	vst v63  }
0x121: {  	_ =	swait.ge [sflag:s5], $0xA000  }
0x122: {  	[sflag:s5] =	ssyncset.done $0x0  }
0x123: {  	[sflag:s5] =	ssyncadd.s32 $0xFFFF6000  }
0x124: {  	[tilespmem:s8], [sflag:$0x1] =	stream.indirect.gather [hbm4b:s3+s11], $0x80, s21, s11, $0xb8;
	[tilespmem:$0x1F900] =	vst v63  }
0x125: {  	_ =	swait.ge [sflag:s9], $0xA000  }
0x126: {  	[sflag:s9] =	ssyncset.done $0x0  }
0x127: {  	s0 =	rddreg [dreg:$0xf];
	[sflag:s9] =	ssyncadd.s32 $0xFFFF6000  }
0x128: {  	[hbm4b:s0+s2] =	stream.linear.scatter [tilespmem:s4], [sflag:$0x5], $0xA000, $0x38;
	[tilespmem:$0x1F900] =	vst v63  }
0x129: {  	_ =	swait.ge [sflag:s6], $0xA000  }
0x12a: {  	[sflag:s6] =	ssyncset.done $0x0  }
0x12b: {  	[sflag:s6] =	ssyncadd.s32 $0xFFFF6000  }
0x12c: {  	[tilespmem:s4], [sflag:$0x2] =	stream.indirect.gather [hbm4b:s3+s11], $0x80, s20, s11, $0xb8;
	[tilespmem:$0x1F900] =	vst v63  }
0x12d: {  	_ =	swait.ge [sflag:s13], $0xA000  }
0x12e: {  	[sflag:s13] =	ssyncset.done $0x0  }
0x12f: {  	s0 =	rddreg [dreg:$0x10];
	[sflag:s13] =	ssyncadd.s32 $0xFFFF6000  }
0x130: {  	[hbm4b:s0+s2] =	stream.linear.scatter [tilespmem:s12], [sflag:$0x6], $0xA000, $0x38;
	[tilespmem:$0x1F900] =	vst v63  }
0x131: {  	_ =	swait.ge [sflag:s7], $0xA000  }
0x132: {  	[sflag:s7] =	ssyncset.done $0x0  }
0x133: {  	[sflag:s7] =	ssyncadd.s32 $0xFFFF6000  }
0x134: {  	[tilespmem:s12], [sflag:$0x3] =	stream.indirect.gather [hbm4b:s3+s11], $0x80, s19, s11, $0xb8;
	[tilespmem:$0x1F900] =	vst v63  }
0x135: {  	_ =	swait.ge [sflag:s10], $0xA000  }
0x136: {  	[sflag:s10] =	ssyncset.done $0x0  }
0x137: {  	s0 =	rddreg [dreg:$0x11];
	[sflag:s10] =	ssyncadd.s32 $0xFFFF6000  }
0x138: {  	[hbm4b:s0+s2] =	stream.linear.scatter [tilespmem:s8], [sflag:$0x4], $0xA000, $0x38;
	[tilespmem:$0x1F900] =	vst v63  }
0x139: {  	_ =	swait.ge [sflag:s5], $0xA000  }
0x13a: {  	[sflag:s5] =	ssyncset.done $0x0  }
0x13b: {  	[sflag:s5] =	ssyncadd.s32 $0xFFFF6000  }
0x13c: {  	[tilespmem:s8], [sflag:$0x1] =	stream.indirect.gather [hbm4b:s3+s11], $0x80, s18, s11, $0xb8;
	[tilespmem:$0x1F900] =	vst v63  }
0x13d: {  	_ =	swait.ge [sflag:s9], $0xA000  }
0x13e: {  	[sflag:s9] =	ssyncset.done $0x0  }
0x13f: {  	s0 =	rddreg [dreg:$0x12];
	[sflag:s9] =	ssyncadd.s32 $0xFFFF6000  }
0x140: {  	[hbm4b:s0+s2] =	stream.linear.scatter [tilespmem:s4], [sflag:$0x5], $0xA000, $0x38;
	[tilespmem:$0x1F900] =	vst v63  }
0x141: {  	_ =	swait.ge [sflag:s6], $0xA000  }
0x142: {  	[sflag:s6] =	ssyncset.done $0x0  }
0x143: {  	[sflag:s6] =	ssyncadd.s32 $0xFFFF6000  }
0x144: {  	[tilespmem:s4], [sflag:$0x2] =	stream.indirect.gather [hbm4b:s3+s11], $0x80, s17, s11, $0xb8;
	[tilespmem:$0x1F900] =	vst v63  }
0x145: {  	_ =	swait.ge [sflag:s13], $0xA000  }
0x146: {  	[sflag:s13] =	ssyncset.done $0x0  }
0x147: {  	s0 =	rddreg [dreg:$0x13];
	[sflag:s13] =	ssyncadd.s32 $0xFFFF6000  }
0x148: {  	[hbm4b:s0+s2] =	stream.linear.scatter [tilespmem:s12], [sflag:$0x6], $0xA000, $0x38;
	[tilespmem:$0x1F900] =	vst v63  }
0x149: {  	_ =	swait.ge [sflag:s7], $0xA000  }
0x14a: {  	[sflag:s7] =	ssyncset.done $0x0  }
0x14b: {  	[sflag:s7] =	ssyncadd.s32 $0xFFFF6000  }
0x14c: {  	[tilespmem:s12], [sflag:$0x3] =	stream.indirect.gather [hbm4b:s3+s11], $0x80, s16, s11, $0xb8;
	[tilespmem:$0x1F900] =	vst v63  }
0x14d: {  	_ =	swait.ge [sflag:s10], $0xA000  }
0x14e: {  	[sflag:s10] =	ssyncset.done $0x0  }
0x14f: {  	s0 =	rddreg [dreg:$0x14];
	[sflag:s10] =	ssyncadd.s32 $0xFFFF6000  }
0x150: {  	[hbm4b:s0+s2] =	stream.linear.scatter [tilespmem:s8], [sflag:$0x4], $0xA000, $0x38;
	[tilespmem:$0x1F900] =	vst v63  }
0x151: {  	_ =	swait.ge [sflag:s5], $0xA000  }
0x152: {  	[sflag:s5] =	ssyncset.done $0x0  }
0x153: {  	[sflag:s5] =	ssyncadd.s32 $0xFFFF6000  }
0x154: {  	[tilespmem:s8], [sflag:$0x1] =	stream.indirect.gather [hbm4b:s3+s11], $0x80, s15, s11, $0xb8;
	[tilespmem:$0x1F900] =	vst v63  }
0x155: {  	_ =	swait.ge [sflag:s9], $0xA000  }
0x156: {  	[sflag:s9] =	ssyncset.done $0x0  }
0x157: {  	s0 =	rddreg [dreg:$0x15];
	[sflag:s9] =	ssyncadd.s32 $0xFFFF6000  }
0x158: {  	[hbm4b:s0+s2] =	stream.linear.scatter [tilespmem:s4], [sflag:$0x5], $0xA000, $0x38;
	[tilespmem:$0x1F900] =	vst v63  }
0x159: {  	_ =	swait.ge [sflag:s6], $0xA000  }
0x15a: {  	[sflag:s6] =	ssyncset.done $0x0  }
0x15b: {  	[sflag:s6] =	ssyncadd.s32 $0xFFFF6000  }
0x15c: {  	[tilespmem:s4], [sflag:$0x2] =	stream.indirect.gather [hbm4b:s3+s11], $0x80, s14, s11, $0xb8;
	[tilespmem:$0x1F900] =	vst v63  }
0x15d: {  	_ =	swait.ge [sflag:s13], $0xA000  }
0x15e: {  	[sflag:s13] =	ssyncset.done $0x0  }
0x15f: {  	s0 =	rddreg [dreg:$0x16];
	[sflag:s13] =	ssyncadd.s32 $0xFFFF6000  }
0x160: {  	[hbm4b:s0+s2] =	stream.linear.scatter [tilespmem:s12], [sflag:$0x6], $0xA000, $0x38;
	[tilespmem:$0x1F900] =	vst v63  }
0x161: {  	_ =	swait.ge [sflag:s10], $0xA000  }
0x162: {  	[sflag:s10] =	ssyncset.done $0x0  }
0x163: {  	s0 =	rddreg [dreg:$0x17];
	[sflag:s10] =	ssyncadd.s32 $0xFFFF6000  }
0x164: {  	[hbm4b:s0+s2] =	stream.linear.scatter [tilespmem:s8], [sflag:$0x4], $0xA000, $0x38;
	[tilespmem:$0x1F900] =	vst v63  }
0x165: {  	_ =	swait.ge [sflag:s9], $0xA000  }
0x166: {  	[sflag:s9] =	ssyncset.done $0x0  }
0x167: {  	s0 =	rddreg [dreg:$0x18];
	[sflag:s9] =	ssyncadd.s32 $0xFFFF6000  }
0x168: {  	[hbm4b:s0+s2] =	stream.linear.scatter [tilespmem:s4], [sflag:$0x5], $0xA000, $0x38;
	[tilespmem:$0x1F900] =	vst v63  }
0x169: {  	_ =	swait.ge [sflag:s5], $0xA000  }
0x16a: {  	[sflag:s5] =	ssyncset.done $0x0  }
0x16b: {  	p1 =	sne.s32 s1, $0x1;
	[sflag:s5] =	ssyncadd.s32 $0xFFFF6000  }
.Ltmp2:
0x16c: {  	_ =	swait.ge [sflag:s6], $0xA000;
	(pc) =	sbr.rel @p1 .LBB2_2-.Ltmp2, $4  }
0x16d: {  	[sflag:s6] =	ssyncset.done $0x0  }
0x16e: {  	[sflag:s6] =	ssyncadd.s32 $0xFFFF6000  }
0x16f: {  	_ =	swait.ge [sflag:s7], $0xA000  }
0x170: {  	s1 =	sadd.s32 $0xFFFFFFFF, s1;
	s0 =	rddreg [dreg:$0x4];
	[sflag:s7] =	ssyncset.done $0x0  }
.LBB2_3:
0x171: {  	[sflag:s7] =	ssyncadd.s32 @p0 $0xFFFF6000  }
0x172: {  	[tilespmem:s2], [sflag:$0x7] =	stream.linear.gather [hbm4b:s0+s2], $0x1900, $0x38;
	[tilespmem:$0x1F900] =	vst v63  }
0x173: {  	_ =	swait.ge [sflag:s31], $0x1900  }
0x174: {  	[sflag:s31] =	ssyncset.done $0x0  }
0x175: {  	[sflag:s31] =	ssyncadd.s32 $0xFFFFE700  }
0x176: {  	[tilespmem:s8], [sflag:$0x1] =	stream.indirect.gather [hbm4b:s3+s11], $0x80, s2, s11, $0xb8;
	[tilespmem:$0x1F900] =	vst v63  }
0x177: {  	_ = 	snop  }
0x178: {  	[tilespmem:s4], [sflag:$0x2] =	stream.indirect.gather [hbm4b:s3+s11], $0x80, s11, s11, $0xb8;
	[tilespmem:$0x1F900] =	vst v63  }
0x179: {  	s31 =	rddreg [dreg:$0x19]  }
0x17a: {  	[tilespmem:s12], [sflag:$0x3] =	stream.indirect.gather [hbm4b:s3+s11], $0x80, s31, s11, $0xb8;
	[tilespmem:$0x1F900] =	vst v63  }
0x17b: {  	_ =	swait.ge [sflag:s10], $0xA000  }
0x17c: {  	[sflag:s10] =	ssyncset.done $0x0  }
0x17d: {  	s1 =	rddreg [dreg:$0x5];
	[sflag:s10] =	ssyncadd.s32 $0xFFFF6000  }
0x17e: {  	[hbm4b:s1+s2] =	stream.linear.scatter [tilespmem:s8], [sflag:$0x4], $0xA000, $0x38;
	[tilespmem:$0x1F900] =	vst v63  }
0x17f: {  	_ =	swait.ge [sflag:s5], $0xA000  }
0x180: {  	[sflag:s5] =	ssyncset.done $0x0  }
0x181: {  	s31 =	rddreg [dreg:$0x1a];
	[sflag:s5] =	ssyncadd.s32 $0xFFFF6000  }
0x182: {  	[tilespmem:s8], [sflag:$0x1] =	stream.indirect.gather [hbm4b:s3+s11], $0x80, s31, s11, $0xb8;
	[tilespmem:$0x1F900] =	vst v63  }
0x183: {  	_ =	swait.ge [sflag:s9], $0xA000  }
0x184: {  	[sflag:s9] =	ssyncset.done $0x0  }
0x185: {  	s1 =	rddreg [dreg:$0x6];
	[sflag:s9] =	ssyncadd.s32 $0xFFFF6000  }
0x186: {  	[hbm4b:s1+s2] =	stream.linear.scatter [tilespmem:s4], [sflag:$0x5], $0xA000, $0x38;
	[tilespmem:$0x1F900] =	vst v63  }
0x187: {  	_ =	swait.ge [sflag:s6], $0xA000  }
0x188: {  	[sflag:s6] =	ssyncset.done $0x0  }
0x189: {  	[sflag:s6] =	ssyncadd.s32 $0xFFFF6000  }
0x18a: {  	[tilespmem:s4], [sflag:$0x2] =	stream.indirect.gather [hbm4b:s3+s11], $0x80, s30, s11, $0xb8;
	[tilespmem:$0x1F900] =	vst v63  }
0x18b: {  	_ =	swait.ge [sflag:s13], $0xA000  }
0x18c: {  	[sflag:s13] =	ssyncset.done $0x0  }
0x18d: {  	s30 =	rddreg [dreg:$0x7];
	[sflag:s13] =	ssyncadd.s32 $0xFFFF6000  }
0x18e: {  	[hbm4b:s30+s2] =	stream.linear.scatter [tilespmem:s12], [sflag:$0x6], $0xA000, $0x38;
	[tilespmem:$0x1F900] =	vst v63  }
0x18f: {  	_ =	swait.ge [sflag:s7], $0xA000  }
0x190: {  	[sflag:s7] =	ssyncset.done $0x0  }
0x191: {  	[sflag:s7] =	ssyncadd.s32 $0xFFFF6000  }
0x192: {  	[tilespmem:s12], [sflag:$0x3] =	stream.indirect.gather [hbm4b:s3+s11], $0x80, s29, s11, $0xb8;
	[tilespmem:$0x1F900] =	vst v63  }
0x193: {  	_ =	swait.ge [sflag:s10], $0xA000  }
0x194: {  	[sflag:s10] =	ssyncset.done $0x0  }
0x195: {  	s31 =	rddreg [dreg:$0x8];
	[sflag:s10] =	ssyncadd.s32 $0xFFFF6000  }
0x196: {  	[hbm4b:s31+s2] =	stream.linear.scatter [tilespmem:s8], [sflag:$0x4], $0xA000, $0x38;
	[tilespmem:$0x1F900] =	vst v63  }
0x197: {  	_ =	swait.ge [sflag:s5], $0xA000  }
0x198: {  	[sflag:s5] =	ssyncset.done $0x0  }
0x199: {  	[sflag:s5] =	ssyncadd.s32 $0xFFFF6000  }
0x19a: {  	[tilespmem:s8], [sflag:$0x1] =	stream.indirect.gather [hbm4b:s3+s11], $0x80, s28, s11, $0xb8;
	[tilespmem:$0x1F900] =	vst v63  }
0x19b: {  	_ =	swait.ge [sflag:s9], $0xA000  }
0x19c: {  	[sflag:s9] =	ssyncset.done $0x0  }
0x19d: {  	s1 =	rddreg [dreg:$0x9];
	[sflag:s9] =	ssyncadd.s32 $0xFFFF6000  }
0x19e: {  	[hbm4b:s1+s2] =	stream.linear.scatter [tilespmem:s4], [sflag:$0x5], $0xA000, $0x38;
	[tilespmem:$0x1F900] =	vst v63  }
0x19f: {  	_ =	swait.ge [sflag:s6], $0xA000  }
0x1a0: {  	[sflag:s6] =	ssyncset.done $0x0  }
0x1a1: {  	[sflag:s6] =	ssyncadd.s32 $0xFFFF6000  }
0x1a2: {  	[tilespmem:s4], [sflag:$0x2] =	stream.indirect.gather [hbm4b:s3+s11], $0x80, s26, s11, $0xb8;
	[tilespmem:$0x1F900] =	vst v63  }
0x1a3: {  	_ =	swait.ge [sflag:s13], $0xA000  }
0x1a4: {  	[sflag:s13] =	ssyncset.done $0x0  }
0x1a5: {  	s26 =	rddreg [dreg:$0xa];
	[sflag:s13] =	ssyncadd.s32 $0xFFFF6000  }
0x1a6: {  	[hbm4b:s26+s2] =	stream.linear.scatter [tilespmem:s12], [sflag:$0x6], $0xA000, $0x38;
	[tilespmem:$0x1F900] =	vst v63  }
0x1a7: {  	_ =	swait.ge [sflag:s7], $0xA000  }
0x1a8: {  	[sflag:s7] =	ssyncset.done $0x0  }
0x1a9: {  	[sflag:s7] =	ssyncadd.s32 $0xFFFF6000  }
0x1aa: {  	[tilespmem:s12], [sflag:$0x3] =	stream.indirect.gather [hbm4b:s3+s11], $0x80, s25, s11, $0xb8;
	[tilespmem:$0x1F900] =	vst v63  }
0x1ab: {  	_ =	swait.ge [sflag:s10], $0xA000  }
0x1ac: {  	[sflag:s10] =	ssyncset.done $0x0  }
0x1ad: {  	s28 =	rddreg [dreg:$0xb];
	[sflag:s10] =	ssyncadd.s32 $0xFFFF6000  }
0x1ae: {  	[hbm4b:s28+s2] =	stream.linear.scatter [tilespmem:s8], [sflag:$0x4], $0xA000, $0x38;
	[tilespmem:$0x1F900] =	vst v63  }
0x1af: {  	_ =	swait.ge [sflag:s5], $0xA000  }
0x1b0: {  	[sflag:s5] =	ssyncset.done $0x0  }
0x1b1: {  	[sflag:s5] =	ssyncadd.s32 $0xFFFF6000  }
0x1b2: {  	[tilespmem:s8], [sflag:$0x1] =	stream.indirect.gather [hbm4b:s3+s11], $0x80, s24, s11, $0xb8;
	[tilespmem:$0x1F900] =	vst v63  }
0x1b3: {  	_ =	swait.ge [sflag:s9], $0xA000  }
0x1b4: {  	[sflag:s9] =	ssyncset.done $0x0  }
0x1b5: {  	s29 =	rddreg [dreg:$0xc];
	[sflag:s9] =	ssyncadd.s32 $0xFFFF6000  }
0x1b6: {  	[hbm4b:s29+s2] =	stream.linear.scatter [tilespmem:s4], [sflag:$0x5], $0xA000, $0x38;
	[tilespmem:$0x1F900] =	vst v63  }
0x1b7: {  	_ =	swait.ge [sflag:s6], $0xA000  }
0x1b8: {  	[sflag:s6] =	ssyncset.done $0x0  }
0x1b9: {  	[sflag:s6] =	ssyncadd.s32 $0xFFFF6000  }
0x1ba: {  	[tilespmem:s4], [sflag:$0x2] =	stream.indirect.gather [hbm4b:s3+s11], $0x80, s23, s11, $0xb8;
	[tilespmem:$0x1F900] =	vst v63  }
0x1bb: {  	_ =	swait.ge [sflag:s13], $0xA000  }
0x1bc: {  	[sflag:s13] =	ssyncset.done $0x0  }
0x1bd: {  	s30 =	rddreg [dreg:$0xd];
	[sflag:s13] =	ssyncadd.s32 $0xFFFF6000  }
0x1be: {  	[hbm4b:s30+s2] =	stream.linear.scatter [tilespmem:s12], [sflag:$0x6], $0xA000, $0x38;
	[tilespmem:$0x1F900] =	vst v63  }
0x1bf: {  	_ =	swait.ge [sflag:s7], $0xA000  }
0x1c0: {  	[sflag:s7] =	ssyncset.done $0x0  }
0x1c1: {  	[sflag:s7] =	ssyncadd.s32 $0xFFFF6000  }
0x1c2: {  	[tilespmem:s12], [sflag:$0x3] =	stream.indirect.gather [hbm4b:s3+s11], $0x80, s22, s11, $0xb8;
	[tilespmem:$0x1F900] =	vst v63  }
0x1c3: {  	_ =	swait.ge [sflag:s10], $0xA000  }
0x1c4: {  	[sflag:s10] =	ssyncset.done $0x0  }
0x1c5: {  	s31 =	rddreg [dreg:$0xe];
	[sflag:s10] =	ssyncadd.s32 $0xFFFF6000  }
0x1c6: {  	[hbm4b:s31+s2] =	stream.linear.scatter [tilespmem:s8], [sflag:$0x4], $0xA000, $0x38;
	[tilespmem:$0x1F900] =	vst v63  }
0x1c7: {  	_ =	swait.ge [sflag:s5], $0xA000  }
0x1c8: {  	[sflag:s5] =	ssyncset.done $0x0  }
0x1c9: {  	[sflag:s5] =	ssyncadd.s32 $0xFFFF6000  }
0x1ca: {  	[tilespmem:s8], [sflag:$0x1] =	stream.indirect.gather [hbm4b:s3+s11], $0x80, s21, s11, $0xb8;
	[tilespmem:$0x1F900] =	vst v63  }
0x1cb: {  	_ =	swait.ge [sflag:s9], $0xA000  }
0x1cc: {  	[sflag:s9] =	ssyncset.done $0x0  }
0x1cd: {  	s1 =	rddreg [dreg:$0xf];
	[sflag:s9] =	ssyncadd.s32 $0xFFFF6000  }
0x1ce: {  	[hbm4b:s1+s2] =	stream.linear.scatter [tilespmem:s4], [sflag:$0x5], $0xA000, $0x38;
	[tilespmem:$0x1F900] =	vst v63  }
0x1cf: {  	_ =	swait.ge [sflag:s6], $0xA000  }
0x1d0: {  	[sflag:s6] =	ssyncset.done $0x0  }
0x1d1: {  	[sflag:s6] =	ssyncadd.s32 $0xFFFF6000  }
0x1d2: {  	[tilespmem:s4], [sflag:$0x2] =	stream.indirect.gather [hbm4b:s3+s11], $0x80, s20, s11, $0xb8;
	[tilespmem:$0x1F900] =	vst v63  }
0x1d3: {  	_ =	swait.ge [sflag:s13], $0xA000  }
0x1d4: {  	[sflag:s13] =	ssyncset.done $0x0  }
0x1d5: {  	s21 =	rddreg [dreg:$0x10];
	[sflag:s13] =	ssyncadd.s32 $0xFFFF6000  }
0x1d6: {  	[hbm4b:s21+s2] =	stream.linear.scatter [tilespmem:s12], [sflag:$0x6], $0xA000, $0x38;
	[tilespmem:$0x1F900] =	vst v63  }
0x1d7: {  	_ =	swait.ge [sflag:s7], $0xA000  }
0x1d8: {  	[sflag:s7] =	ssyncset.done $0x0  }
0x1d9: {  	[sflag:s7] =	ssyncadd.s32 $0xFFFF6000  }
0x1da: {  	[tilespmem:s12], [sflag:$0x3] =	stream.indirect.gather [hbm4b:s3+s11], $0x80, s19, s11, $0xb8;
	[tilespmem:$0x1F900] =	vst v63  }
0x1db: {  	_ =	swait.ge [sflag:s10], $0xA000  }
0x1dc: {  	[sflag:s10] =	ssyncset.done $0x0  }
0x1dd: {  	s22 =	rddreg [dreg:$0x11];
	[sflag:s10] =	ssyncadd.s32 $0xFFFF6000  }
0x1de: {  	[hbm4b:s22+s2] =	stream.linear.scatter [tilespmem:s8], [sflag:$0x4], $0xA000, $0x38;
	[tilespmem:$0x1F900] =	vst v63  }
0x1df: {  	_ =	swait.ge [sflag:s5], $0xA000  }
0x1e0: {  	[sflag:s5] =	ssyncset.done $0x0  }
0x1e1: {  	[sflag:s5] =	ssyncadd.s32 $0xFFFF6000  }
0x1e2: {  	[tilespmem:s8], [sflag:$0x1] =	stream.indirect.gather [hbm4b:s3+s11], $0x80, s18, s11, $0xb8;
	[tilespmem:$0x1F900] =	vst v63  }
0x1e3: {  	_ =	swait.ge [sflag:s9], $0xA000  }
0x1e4: {  	[sflag:s9] =	ssyncset.done $0x0  }
0x1e5: {  	s23 =	rddreg [dreg:$0x12];
	[sflag:s9] =	ssyncadd.s32 $0xFFFF6000  }
0x1e6: {  	[hbm4b:s23+s2] =	stream.linear.scatter [tilespmem:s4], [sflag:$0x5], $0xA000, $0x38;
	[tilespmem:$0x1F900] =	vst v63  }
0x1e7: {  	_ =	swait.ge [sflag:s6], $0xA000  }
0x1e8: {  	[sflag:s6] =	ssyncset.done $0x0  }
0x1e9: {  	[sflag:s6] =	ssyncadd.s32 $0xFFFF6000  }
0x1ea: {  	[tilespmem:s4], [sflag:$0x2] =	stream.indirect.gather [hbm4b:s3+s11], $0x80, s17, s11, $0xb8;
	[tilespmem:$0x1F900] =	vst v63  }
0x1eb: {  	_ =	swait.ge [sflag:s13], $0xA000  }
0x1ec: {  	[sflag:s13] =	ssyncset.done $0x0  }
0x1ed: {  	s24 =	rddreg [dreg:$0x13];
	[sflag:s13] =	ssyncadd.s32 $0xFFFF6000  }
0x1ee: {  	[hbm4b:s24+s2] =	stream.linear.scatter [tilespmem:s12], [sflag:$0x6], $0xA000, $0x38;
	[tilespmem:$0x1F900] =	vst v63  }
0x1ef: {  	_ =	swait.ge [sflag:s7], $0xA000  }
0x1f0: {  	[sflag:s7] =	ssyncset.done $0x0  }
0x1f1: {  	[sflag:s7] =	ssyncadd.s32 $0xFFFF6000  }
0x1f2: {  	[tilespmem:s12], [sflag:$0x3] =	stream.indirect.gather [hbm4b:s3+s11], $0x80, s16, s11, $0xb8;
	[tilespmem:$0x1F900] =	vst v63  }
0x1f3: {  	_ =	swait.ge [sflag:s10], $0xA000  }
0x1f4: {  	[sflag:s10] =	ssyncset.done $0x0  }
0x1f5: {  	s25 =	rddreg [dreg:$0x14];
	[sflag:s10] =	ssyncadd.s32 $0xFFFF6000  }
0x1f6: {  	[hbm4b:s25+s2] =	stream.linear.scatter [tilespmem:s8], [sflag:$0x4], $0xA000, $0x38;
	[tilespmem:$0x1F900] =	vst v63  }
0x1f7: {  	_ =	swait.ge [sflag:s5], $0xA000  }
0x1f8: {  	[sflag:s5] =	ssyncset.done $0x0  }
0x1f9: {  	[sflag:s5] =	ssyncadd.s32 $0xFFFF6000  }
0x1fa: {  	[tilespmem:s8], [sflag:$0x1] =	stream.indirect.gather [hbm4b:s3+s11], $0x80, s15, s11, $0xb8;
	[tilespmem:$0x1F900] =	vst v63  }
0x1fb: {  	_ =	swait.ge [sflag:s9], $0xA000  }
0x1fc: {  	[sflag:s9] =	ssyncset.done $0x0  }
0x1fd: {  	s26 =	rddreg [dreg:$0x15];
	[sflag:s9] =	ssyncadd.s32 $0xFFFF6000  }
0x1fe: {  	[hbm4b:s26+s2] =	stream.linear.scatter [tilespmem:s4], [sflag:$0x5], $0xA000, $0x38;
	[tilespmem:$0x1F900] =	vst v63  }
0x1ff: {  	_ =	swait.ge [sflag:s6], $0xA000  }
0x200: {  	[sflag:s6] =	ssyncset.done $0x0  }
0x201: {  	[sflag:s6] =	ssyncadd.s32 $0xFFFF6000  }
0x202: {  	[tilespmem:s4], [sflag:$0x2] =	stream.indirect.gather [hbm4b:s3+s11], $0x80, s14, s11, $0xb8;
	[tilespmem:$0x1F900] =	vst v63  }
0x203: {  	_ =	swait.ge [sflag:s13], $0xA000  }
0x204: {  	[sflag:s13] =	ssyncset.done $0x0  }
0x205: {  	s28 =	rddreg [dreg:$0x16];
	[sflag:s13] =	ssyncadd.s32 $0xFFFF6000  }
0x206: {  	[hbm4b:s28+s2] =	stream.linear.scatter [tilespmem:s12], [sflag:$0x6], $0xA000, $0x38;
	[tilespmem:$0x1F900] =	vst v63  }
0x207: {  	_ =	swait.ge [sflag:s10], $0xA000  }
0x208: {  	[sflag:s10] =	ssyncset.done $0x0  }
0x209: {  	s29 =	rddreg [dreg:$0x17];
	[sflag:s10] =	ssyncadd.s32 $0xFFFF6000  }
0x20a: {  	[hbm4b:s29+s2] =	stream.linear.scatter [tilespmem:s8], [sflag:$0x4], $0xA000, $0x38;
	[tilespmem:$0x1F900] =	vst v63  }
0x20b: {  	_ =	swait.ge [sflag:s9], $0xA000  }
0x20c: {  	[sflag:s9] =	ssyncset.done $0x0  }
0x20d: {  	s30 =	rddreg [dreg:$0x18];
	[sflag:s9] =	ssyncadd.s32 $0xFFFF6000  }
0x20e: {  	[hbm4b:s30+s2] =	stream.linear.scatter [tilespmem:s4], [sflag:$0x5], $0xA000, $0x38;
	[tilespmem:$0x1F900] =	vst v63  }
0x20f: {  	_ =	swait.ge [sflag:s5], $0xA000  }
0x210: {  	[sflag:s5] =	ssyncset.done $0x0  }
0x211: {  	[sflag:s5] =	ssyncadd.s32 $0xFFFF6000  }
0x212: {  	_ =	swait.ge [sflag:s6], $0xA000  }
0x213: {  	[sflag:s6] =	ssyncset.done $0x0  }
0x214: {  	[sflag:s6] =	ssyncadd.s32 $0xFFFF6000  }
0x215: {  	_ =	swait.ge [sflag:s7], $0xA000  }
0x216: {  	[sflag:s7] =	ssyncset.done $0x0  }
0x217: {  	[sflag:s7] =	ssyncadd.s32 $0xFFFF6000  }
0x218: {  	_ =	sfence.sel $0x180000  }
0x219: {  	[bflag:$0x0] =	sbarrier.arrive $0xFFFF  }
0x21a: {  	_ =	strace $0x90000047  }
0x21b: {  	s31 =	stileid.u32;
	[bflag:$0x2] =	sbarrier.arrive $0xFFFF  }
0x21c: {  	p0 =	sne.s32 s31, $0x0;
	s0 =	rddreg [dreg:$0x3]  }
0x21d: {  	s0 =	sadd.s32 @!p0 $0x100000, s0  }
0x21e: {  	[sflag:s0] =	ssyncadd.tile.s32 @!p0 $0x1;
	_ =	shalt  }
.Lfunc_end2:
_tile_overlayer_lowered:
.L_overlay_start_2:
0x21f: {  	(tag) =	ssettag $0x2  }
0x220: {  	s0 =	rddreg [dreg:$0x0];
	s2 =	stileid.u32  }
0x221: {  	s1 =	rddreg [dreg:$0x1];
	p0 =	sne.s32 s2, $0x0  }
0x222: {  	s3 =	rddreg [dreg:$0x2];
	[bflag:$0x3] =	sbarrier.arrive $0xFFFF;
	s2 =	simm.s32 @!p0 $0x1C07  }
0x223: {  	[timem:s3], [sflag:s2] =	dma.local @!p0 [hbm:s0], s1  }
0x224: {  	s0 =	simm.s32 @!p0 $0x7  }
0x225: {  	_ =	swait.ge @!p0 [sflag:s0], s1  }
0x226: {  	s1 =	ssub.s32 @!p0 $0x0, s1;
	[sflag:s0] =	ssyncset.done @!p0 $0x0  }
0x227: {  	[sflag:s0] =	ssyncadd.s32 @!p0 s1  }
0x228: {  	[bflag:$0x3] =	sbarrier.arrive $0xFFFF  }
0x229: {  	_ =	shalt  }

</sc_bundles>
